<compile_context>
chip_gen: v7x
topology: tpu7x:2x2x1
jax: 0.10.2.dev20260603
libtpu: 0.0.44.dev20260713+nightly
codegen_flags: <defaults>
</compile_context>

<pallas_src>
import jax
import jax.numpy as jnp
from jax import lax
from jax.experimental import pallas as pl
from jax.experimental.pallas import tpu as pltpu
from jax.experimental.pallas import tpu_sc as plsc

_N = 10000
_E = 320000
_DIN = 128
_DHID = 256
_NCLS = 16

_NC = 2
_NS = 16
_NW = _NC * _NS
_K = 128
_WIN = 79
_EP = _NW * _WIN * _K
_NPAD = 10240
_RPT = _NPAD // _NS

def _mesh():
    return plsc.VectorSubcoreMesh(core_axis_name="c", subcore_axis_name="s",
                                  num_cores=_NC, num_subcores=_NS)


def _fill_rows(ref, n_rows, width, value):
    vec = jnp.full((16,), value, jnp.float32)

    def body(i, _):
        for k in range(width // 16):
            ref[i, pl.ds(k * 16, 16)] = vec
        return 0

    lax.fori_loop(0, n_rows, body, 0)


def _sc_aggregate(width, gather, stage_src=False, n_buf=1):

    scratch = [
        pltpu.VMEM_SHARED((_NPAD, width), jnp.float32),
        pltpu.VMEM((_WIN, _K), jnp.int32),
        pltpu.VMEM((_K, width), jnp.float32),
        pltpu.SemaphoreType.DMA,
    ]
    if gather:
        scratch.insert(2, pltpu.VMEM((_WIN, _K), jnp.int32))
        for _ in range(n_buf - 1):
            scratch.append(pltpu.VMEM((_K, width), jnp.float32))
            scratch.append(pltpu.SemaphoreType.DMA)
    if stage_src:
        scratch.insert(0, pltpu.VMEM_SHARED((_NPAD, width), jnp.float32))

    def body(*refs):
        if gather and stage_src:
            (rows_hbm, src_hbm, dst_hbm, out_hbm,
             src_sh, acc_sh, didx, sidx, rows, sem, *extra) = refs
        elif gather:
            (rows_hbm, src_hbm, dst_hbm, out_hbm,
             acc_sh, didx, sidx, rows, sem, *extra) = refs
        else:
            (dst_hbm, out_hbm, acc_sh, didx, rows, sem) = refs
        if gather:
            bufs = [rows] + list(extra[0::2])
            sems = [sem] + list(extra[1::2])
        c = lax.axis_index("c")
        s = lax.axis_index("s")
        wid = s * _NC + c

        _fill_rows(rows, _K, width, 0.0)
        for i in range(_RPT // _K):
            pltpu.sync_copy(rows, acc_sh.at[pl.ds(s * _RPT + i * _K, _K)])
        if not gather:
            _fill_rows(rows, _K, width, 1.0)
        if stage_src:
            for i in range(_RPT // _K):
                pltpu.sync_copy(rows_hbm.at[pl.ds(s * _RPT + i * _K, _K)],
                                rows)
                pltpu.sync_copy(rows, src_sh.at[pl.ds(s * _RPT + i * _K, _K)])
        pltpu.sync_copy(dst_hbm.at[wid], didx)
        if gather:
            pltpu.sync_copy(src_hbm.at[wid], sidx)
        plsc.subcore_barrier()

        if gather:
            gsrc = src_sh if stage_src else rows_hbm

            def sl(j):
                return sidx.at[j]

            def group(g, _):
                j0 = g * n_buf
                descs = [
                    pltpu.async_copy(gsrc.at[sl(j0 + t)], bufs[t], sems[t])
                    for t in range(n_buf)
                ]
                for t in range(n_buf):
                    descs[t].wait()
                    pltpu.sync_copy(bufs[t], acc_sh.at[didx.at[j0 + t]],
                                    add=True)
                return 0

            lax.fori_loop(0, _WIN // n_buf, group, 0)
            for j in range(_WIN - _WIN % n_buf, _WIN):
                pltpu.async_copy(gsrc.at[sl(j)], rows, sem).wait()
                pltpu.sync_copy(rows, acc_sh.at[didx.at[j]], add=True)
        else:
            def win(j, _):
                pltpu.sync_copy(rows, acc_sh.at[didx.at[j]], add=True)
                return 0

            lax.fori_loop(0, _WIN, win, 0)
        plsc.subcore_barrier()
        pltpu.sync_copy(acc_sh.at[pl.ds(s * _RPT, _RPT)],
                        out_hbm.at[c, pl.ds(s * _RPT, _RPT)])

    return pl.kernel(
        body,
        out_type=jax.ShapeDtypeStruct((_NC, _NPAD, width), jnp.float32),
        mesh=_mesh(),
        scratch_types=scratch,
    )


def _dinv_of(degp_ref):
    deg = degp_ref[0, :, 0:1] + degp_ref[1, :, 0:1] + 1.0
    return lax.rsqrt(deg)


_RB = 1000


def _mid_body(p_ref, xs_ref, degp_ref, w1_ref, b1_ref, w2_ref, o_ref):
    dinv = _dinv_of(degp_ref)
    g = (p_ref[0] + p_ref[1] + xs_ref[...]) * dinv
    h = jnp.dot(g, w1_ref[...], precision=lax.Precision.HIGHEST,
                preferred_element_type=jnp.float32) + b1_ref[...]
    h = jnp.maximum(h, 0.0)
    z = jnp.dot(h, w2_ref[...], precision=lax.Precision.HIGHEST,
                preferred_element_type=jnp.float32)
    o_ref[...] = z


def _out_body(p2_ref, zs_ref, degp_ref, b2_ref, lsm_ref, logits_ref):
    dinv = _dinv_of(degp_ref)
    logits = (p2_ref[0] + p2_ref[1] + zs_ref[...]) * dinv + b2_ref[...]
    m = jnp.max(logits, axis=1, keepdims=True)
    lse = jnp.log(jnp.sum(jnp.exp(logits - m), axis=1, keepdims=True)) + m
    lsm_ref[...] = logits - lse
    logits_ref[...] = logits


def _degp_spec():
    return pl.BlockSpec((_NC, _RB, _NCLS), lambda i: (0, i, 0))


def kernel(x, edge_index, W1, b1, W2, b2):
    ei = edge_index.astype(jnp.int32)
    pad_n = _EP - _E
    apad = jnp.arange(pad_n, dtype=jnp.int32)
    src_pad = (apad * 97) % _N
    dst_pad = _N + apad % (_NPAD - _N)
    src_r = jnp.concatenate([ei[0], src_pad]).reshape(_NW, _WIN, _K)
    dst_r = jnp.concatenate([ei[1], dst_pad]).reshape(_NW, _WIN, _K)

    degp = _sc_aggregate(_NCLS, gather=False)(dst_r)

    dinv = lax.rsqrt(degp[0, :_N, 0] + degp[1, :_N, 0] + 1.0)
    xs = x * dinv[:, None]

    grid = _N // _RB
    p1 = _sc_aggregate(_DIN, gather=True)(xs, src_r, dst_r)

    z = pl.pallas_call(
        _mid_body,
        grid=(grid,),
        in_specs=[
            pl.BlockSpec((_NC, _RB, _DIN), lambda i: (0, i, 0)),
            pl.BlockSpec((_RB, _DIN), lambda i: (i, 0)),
            _degp_spec(),
            pl.BlockSpec((_DIN, _DHID), lambda i: (0, 0)),
            pl.BlockSpec((1, _DHID), lambda i: (0, 0)),
            pl.BlockSpec((_DHID, _NCLS), lambda i: (0, 0)),
        ],
        out_specs=pl.BlockSpec((_RB, _NCLS), lambda i: (i, 0)),
        out_shape=jax.ShapeDtypeStruct((_N, _NCLS), jnp.float32),
    )(p1, xs, degp, W1, b1.reshape(1, _DHID), W2)

    zs = z * dinv[:, None]
    zsp = jnp.pad(zs, ((0, _NPAD - _N), (0, 0)))
    p2 = _sc_aggregate(_NCLS, gather=True, stage_src=True,
                       n_buf=4)(zsp, src_r, dst_r)

    lsm, logits = pl.pallas_call(
        _out_body,
        grid=(grid,),
        in_specs=[
            pl.BlockSpec((_NC, _RB, _NCLS), lambda i: (0, i, 0)),
            pl.BlockSpec((_RB, _NCLS), lambda i: (i, 0)),
            _degp_spec(),
            pl.BlockSpec((1, _NCLS), lambda i: (0, 0)),
        ],
        out_specs=[
            pl.BlockSpec((_RB, _NCLS), lambda i: (i, 0)),
            pl.BlockSpec((_RB, _NCLS), lambda i: (i, 0)),
        ],
        out_shape=[
            jax.ShapeDtypeStruct((_N, _NCLS), jnp.float32),
            jax.ShapeDtypeStruct((_N, _NCLS), jnp.float32),
        ],
    )(p2, zs, degp, b2.reshape(1, _NCLS))

    return (lsm, logits)

# --- scband reference (transcript-rebuilt; emitter-appended) ---
"""Pipeline reference for scband-net-21148418966270 (READ-ONLY COPY).

The authoritative reference and input builder live on the scoring server;
editing this copy changes nothing except your own understanding.
"""

import jax, jax.numpy as jnp
import numpy as np

N_NODES = 10000
N_EDGES = 320000
D_IN = 128
D_HID = 256
N_CLS = 16

def gcn_conv(x, edge_index, W, b, num_nodes):
    # GCNConv: add self-loops, symmetric normalization, then aggregate
    src = edge_index[0]
    dst = edge_index[1]
    loop = jnp.arange(num_nodes, dtype=src.dtype)
    src = jnp.concatenate([src, loop])
    dst = jnp.concatenate([dst, loop])
    ones = jnp.ones(src.shape[0], dtype=x.dtype)
    deg = jax.ops.segment_sum(ones, dst, num_segments=num_nodes)
    deg_inv_sqrt = jnp.where(deg > 0, jax.lax.rsqrt(deg), 0.0)
    norm = deg_inv_sqrt[src] * deg_inv_sqrt[dst]
    h = x @ W
    msg = h[src] * norm[:, None]
    out = jax.ops.segment_sum(msg, dst, num_segments=num_nodes)
    return out + b

def setup_inputs(seed: int = 0) -> dict:
    key = jax.random.key(seed)
    k_x, k_e, k_w1, k_w2 = jax.random.split(key, 4)
    x = jax.random.normal(k_x, (N_NODES, D_IN), dtype=jnp.float32)
    edge_index = jax.random.randint(k_e, (2, N_EDGES), 0, N_NODES, dtype=jnp.int64)
    s1 = 1.0 / np.sqrt(D_IN)
    s2 = 1.0 / np.sqrt(D_HID)
    W1 = jax.random.uniform(k_w1, (D_IN, D_HID), minval=-s1, maxval=s1, dtype=jnp.float32)
    b1 = jnp.zeros((D_HID,), dtype=jnp.float32)
    W2 = jax.random.uniform(k_w2, (D_HID, N_CLS), minval=-s2, maxval=s2, dtype=jnp.float32)
    b2 = jnp.zeros((N_CLS,), dtype=jnp.float32)
    return {"x": x, "edge_index": edge_index, "W1": W1, "b1": b1, "W2": W2, "b2": b2}

def reference(x, edge_index, W1, b1, W2, b2):
    h = gcn_conv(x, edge_index, W1, b1, N_NODES)
    h = jax.nn.relu(h)
    # dropout p=0.5 is identity in eval mode
    logits = gcn_conv(h, edge_index, W2, b2, N_NODES)
    return (jax.nn.log_softmax(logits, axis=1), logits)

if __name__ == "__main__":
    import jax
    _d = setup_inputs()
    print(jax.jit(kernel)(*tuple(_d.values())))

</pallas_src>

<mosaic_0001>
#map = affine_map<(d0, d1) -> (0, 0, 0)>
module attributes {stable_mosaic.version = 14 : i64} {
  func.func @body(%arg0: i32, %arg1: i32, %arg2: memref<32x79x128xi32, #tpu.memory_space<hbm>>, %arg3: memref<2x10240x16xf32, #tpu.memory_space<hbm>>, %arg4: memref<10240x16xf32, #tpu.memory_space<vmem_shared>>, %arg5: memref<79x128xi32, #tpu.memory_space<vmem>>, %arg6: memref<128x16xf32, #tpu.memory_space<vmem>>, %arg7: memref<!tpu.dma_semaphore, #tpu.memory_space<semaphore_mem>>) attributes {dimension_semantics = [#tpu.dimension_semantics<core_parallel>, #tpu.dimension_semantics<subcore_parallel>], iteration_bounds = array<i64: 2, 16>, scalar_prefetch = 0 : i64, scratch_operands = 4 : i64, tpu.core_type = #tpu.core_type<sc_vector_subcore>, window_params = [{transform_indices = #map}, {transform_indices = #map}]} {
    %mul3A = arith.constant 2 : i32
    %mul3A_0 = arith.muli %arg1, %mul3A : i32
    %add3A = arith.addi %mul3A_0, %arg0 : i32
    %broadcast_in_dim3A = arith.constant 0.000000e+00 : f32
    %broadcast_in_dim3A_1 = vector.broadcast %broadcast_in_dim3A : f32 to vector<16xf32>
    %scan3A = arith.constant 0 : i32
    %scan3A_2 = arith.constant 0 : i32
    %scan3A_3 = arith.constant 128 : i32
    %scan3A_4 = arith.addi %scan3A_2, %scan3A_3 : i32
    %scan3A_5 = arith.constant 1 : i32
    %scan3A_6 = scf.for %scan3A_49 = %scan3A_2 to %scan3A_4 step %scan3A_5 iter_args(%scan3A_50 = %scan3A) -> (i32)  : i32 {
      %swap3A = arith.index_cast %scan3A_49 : i32 to index
      %swap3A_51 = arith.constant 0 : index
      %swap3A_52 = tpu.vector_load %arg6[%swap3A, %swap3A_51] {strides = array<i32>} : memref<128x16xf32, #tpu.memory_space<vmem>>, vector<1x16xf32>,
      %swap3A_53 = vector.shape_cast %swap3A_52 : vector<1x16xf32> to vector<16xf32>
      %swap3A_54 = vector.shape_cast %broadcast_in_dim3A_1 : vector<16xf32> to vector<1x16xf32>
      tpu.vector_store %arg6[%swap3A, %swap3A_51], %swap3A_54 {strides = array<i32>} : memref<128x16xf32, #tpu.memory_space<vmem>>, vector<1x16xf32>,
      %scan3A_55 = arith.constant 0 : i32
      scf.yield %scan3A_55 : i32
    }
    %scan3A_7 = arith.constant 128 : i32
    %mul3A_8 = arith.constant 640 : i32
    %mul3A_9 = arith.muli %arg1, %mul3A_8 : i32
    %add3A_10 = arith.constant 0 : i32
    %add3A_11 = arith.addi %mul3A_9, %add3A_10 : i32
    "tpu.region"() ({
      %run_scoped3A = tpu.sem_alloc : memref<!tpu.dma_semaphore, #tpu.memory_space<semaphore_mem>>
      %dma_start3A = arith.constant 0 : i32
      %dma_start3A_49 = tpu.memref_slice %arg4[%add3A_11, %dma_start3A] : memref<10240x16xf32, #tpu.memory_space<vmem_shared>> -> memref<128x16xf32, #tpu.memory_space<vmem_shared>>
      %dma_start3A_50 = arith.constant 0 : i32
      %dma_start3A_51 = tpu.memref_slice %arg4[%add3A_11, %dma_start3A_50] : memref<10240x16xf32, #tpu.memory_space<vmem_shared>> -> memref<128x16xf32, #tpu.memory_space<vmem_shared>>
      tpu.enqueue_dma source(%arg6 : memref<128x16xf32, #tpu.memory_space<vmem>>) target(%dma_start3A_51 : memref<128x16xf32, #tpu.memory_space<vmem_shared>>) target_semaphore(%run_scoped3A : memref<!tpu.dma_semaphore, #tpu.memory_space<semaphore_mem>>)
      %dma_wait3A = arith.constant 0 : i32
      %dma_wait3A_52 = tpu.memref_slice %arg4[%add3A_11, %dma_wait3A] : memref<10240x16xf32, #tpu.memory_space<vmem_shared>> -> memref<128x16xf32, #tpu.memory_space<vmem_shared>>
      %dma_wait3A_53 = arith.constant 0 : i32
      %dma_wait3A_54 = tpu.memref_slice %arg4[%add3A_11, %dma_wait3A_53] : memref<10240x16xf32, #tpu.memory_space<vmem_shared>> -> memref<128x16xf32, #tpu.memory_space<vmem_shared>>
      tpu.wait_dma2 semaphore(%run_scoped3A : memref<!tpu.dma_semaphore, #tpu.memory_space<semaphore_mem>>) src(%arg6 : memref<128x16xf32, #tpu.memory_space<vmem>>) dst(%dma_wait3A_54 : memref<128x16xf32, #tpu.memory_space<vmem_shared>>)
      tpu.yield
    }) : () -> ()
    %mul3A_12 = arith.constant 640 : i32
    %mul3A_13 = arith.muli %arg1, %mul3A_12 : i32
    %add3A_14 = arith.constant 128 : i32
    %add3A_15 = arith.addi %mul3A_13, %add3A_14 : i32
    "tpu.region"() ({
      %run_scoped3A = tpu.sem_alloc : memref<!tpu.dma_semaphore, #tpu.memory_space<semaphore_mem>>
      %dma_start3A = arith.constant 0 : i32
      %dma_start3A_49 = tpu.memref_slice %arg4[%add3A_15, %dma_start3A] : memref<10240x16xf32, #tpu.memory_space<vmem_shared>> -> memref<128x16xf32, #tpu.memory_space<vmem_shared>>
      %dma_start3A_50 = arith.constant 0 : i32
      %dma_start3A_51 = tpu.memref_slice %arg4[%add3A_15, %dma_start3A_50] : memref<10240x16xf32, #tpu.memory_space<vmem_shared>> -> memref<128x16xf32, #tpu.memory_space<vmem_shared>>
      tpu.enqueue_dma source(%arg6 : memref<128x16xf32, #tpu.memory_space<vmem>>) target(%dma_start3A_51 : memref<128x16xf32, #tpu.memory_space<vmem_shared>>) target_semaphore(%run_scoped3A : memref<!tpu.dma_semaphore, #tpu.memory_space<semaphore_mem>>)
      %dma_wait3A = arith.constant 0 : i32
      %dma_wait3A_52 = tpu.memref_slice %arg4[%add3A_15, %dma_wait3A] : memref<10240x16xf32, #tpu.memory_space<vmem_shared>> -> memref<128x16xf32, #tpu.memory_space<vmem_shared>>
      %dma_wait3A_53 = arith.constant 0 : i32
      %dma_wait3A_54 = tpu.memref_slice %arg4[%add3A_15, %dma_wait3A_53] : memref<10240x16xf32, #tpu.memory_space<vmem_shared>> -> memref<128x16xf32, #tpu.memory_space<vmem_shared>>
      tpu.wait_dma2 semaphore(%run_scoped3A : memref<!tpu.dma_semaphore, #tpu.memory_space<semaphore_mem>>) src(%arg6 : memref<128x16xf32, #tpu.memory_space<vmem>>) dst(%dma_wait3A_54 : memref<128x16xf32, #tpu.memory_space<vmem_shared>>)
      tpu.yield
    }) : () -> ()
    %mul3A_16 = arith.constant 640 : i32
    %mul3A_17 = arith.muli %arg1, %mul3A_16 : i32
    %add3A_18 = arith.constant 256 : i32
    %add3A_19 = arith.addi %mul3A_17, %add3A_18 : i32
    "tpu.region"() ({
      %run_scoped3A = tpu.sem_alloc : memref<!tpu.dma_semaphore, #tpu.memory_space<semaphore_mem>>
      %dma_start3A = arith.constant 0 : i32
      %dma_start3A_49 = tpu.memref_slice %arg4[%add3A_19, %dma_start3A] : memref<10240x16xf32, #tpu.memory_space<vmem_shared>> -> memref<128x16xf32, #tpu.memory_space<vmem_shared>>
      %dma_start3A_50 = arith.constant 0 : i32
      %dma_start3A_51 = tpu.memref_slice %arg4[%add3A_19, %dma_start3A_50] : memref<10240x16xf32, #tpu.memory_space<vmem_shared>> -> memref<128x16xf32, #tpu.memory_space<vmem_shared>>
      tpu.enqueue_dma source(%arg6 : memref<128x16xf32, #tpu.memory_space<vmem>>) target(%dma_start3A_51 : memref<128x16xf32, #tpu.memory_space<vmem_shared>>) target_semaphore(%run_scoped3A : memref<!tpu.dma_semaphore, #tpu.memory_space<semaphore_mem>>)
      %dma_wait3A = arith.constant 0 : i32
      %dma_wait3A_52 = tpu.memref_slice %arg4[%add3A_19, %dma_wait3A] : memref<10240x16xf32, #tpu.memory_space<vmem_shared>> -> memref<128x16xf32, #tpu.memory_space<vmem_shared>>
      %dma_wait3A_53 = arith.constant 0 : i32
      %dma_wait3A_54 = tpu.memref_slice %arg4[%add3A_19, %dma_wait3A_53] : memref<10240x16xf32, #tpu.memory_space<vmem_shared>> -> memref<128x16xf32, #tpu.memory_space<vmem_shared>>
      tpu.wait_dma2 semaphore(%run_scoped3A : memref<!tpu.dma_semaphore, #tpu.memory_space<semaphore_mem>>) src(%arg6 : memref<128x16xf32, #tpu.memory_space<vmem>>) dst(%dma_wait3A_54 : memref<128x16xf32, #tpu.memory_space<vmem_shared>>)
      tpu.yield
    }) : () -> ()
    %mul3A_20 = arith.constant 640 : i32
    %mul3A_21 = arith.muli %arg1, %mul3A_20 : i32
    %add3A_22 = arith.constant 384 : i32
    %add3A_23 = arith.addi %mul3A_21, %add3A_22 : i32
    "tpu.region"() ({
      %run_scoped3A = tpu.sem_alloc : memref<!tpu.dma_semaphore, #tpu.memory_space<semaphore_mem>>
      %dma_start3A = arith.constant 0 : i32
      %dma_start3A_49 = tpu.memref_slice %arg4[%add3A_23, %dma_start3A] : memref<10240x16xf32, #tpu.memory_space<vmem_shared>> -> memref<128x16xf32, #tpu.memory_space<vmem_shared>>
      %dma_start3A_50 = arith.constant 0 : i32
      %dma_start3A_51 = tpu.memref_slice %arg4[%add3A_23, %dma_start3A_50] : memref<10240x16xf32, #tpu.memory_space<vmem_shared>> -> memref<128x16xf32, #tpu.memory_space<vmem_shared>>
      tpu.enqueue_dma source(%arg6 : memref<128x16xf32, #tpu.memory_space<vmem>>) target(%dma_start3A_51 : memref<128x16xf32, #tpu.memory_space<vmem_shared>>) target_semaphore(%run_scoped3A : memref<!tpu.dma_semaphore, #tpu.memory_space<semaphore_mem>>)
      %dma_wait3A = arith.constant 0 : i32
      %dma_wait3A_52 = tpu.memref_slice %arg4[%add3A_23, %dma_wait3A] : memref<10240x16xf32, #tpu.memory_space<vmem_shared>> -> memref<128x16xf32, #tpu.memory_space<vmem_shared>>
      %dma_wait3A_53 = arith.constant 0 : i32
      %dma_wait3A_54 = tpu.memref_slice %arg4[%add3A_23, %dma_wait3A_53] : memref<10240x16xf32, #tpu.memory_space<vmem_shared>> -> memref<128x16xf32, #tpu.memory_space<vmem_shared>>
      tpu.wait_dma2 semaphore(%run_scoped3A : memref<!tpu.dma_semaphore, #tpu.memory_space<semaphore_mem>>) src(%arg6 : memref<128x16xf32, #tpu.memory_space<vmem>>) dst(%dma_wait3A_54 : memref<128x16xf32, #tpu.memory_space<vmem_shared>>)
      tpu.yield
    }) : () -> ()
    %mul3A_24 = arith.constant 640 : i32
    %mul3A_25 = arith.muli %arg1, %mul3A_24 : i32
    %add3A_26 = arith.constant 512 : i32
    %add3A_27 = arith.addi %mul3A_25, %add3A_26 : i32
    "tpu.region"() ({
      %run_scoped3A = tpu.sem_alloc : memref<!tpu.dma_semaphore, #tpu.memory_space<semaphore_mem>>
      %dma_start3A = arith.constant 0 : i32
      %dma_start3A_49 = tpu.memref_slice %arg4[%add3A_27, %dma_start3A] : memref<10240x16xf32, #tpu.memory_space<vmem_shared>> -> memref<128x16xf32, #tpu.memory_space<vmem_shared>>
      %dma_start3A_50 = arith.constant 0 : i32
      %dma_start3A_51 = tpu.memref_slice %arg4[%add3A_27, %dma_start3A_50] : memref<10240x16xf32, #tpu.memory_space<vmem_shared>> -> memref<128x16xf32, #tpu.memory_space<vmem_shared>>
      tpu.enqueue_dma source(%arg6 : memref<128x16xf32, #tpu.memory_space<vmem>>) target(%dma_start3A_51 : memref<128x16xf32, #tpu.memory_space<vmem_shared>>) target_semaphore(%run_scoped3A : memref<!tpu.dma_semaphore, #tpu.memory_space<semaphore_mem>>)
      %dma_wait3A = arith.constant 0 : i32
      %dma_wait3A_52 = tpu.memref_slice %arg4[%add3A_27, %dma_wait3A] : memref<10240x16xf32, #tpu.memory_space<vmem_shared>> -> memref<128x16xf32, #tpu.memory_space<vmem_shared>>
      %dma_wait3A_53 = arith.constant 0 : i32
      %dma_wait3A_54 = tpu.memref_slice %arg4[%add3A_27, %dma_wait3A_53] : memref<10240x16xf32, #tpu.memory_space<vmem_shared>> -> memref<128x16xf32, #tpu.memory_space<vmem_shared>>
      tpu.wait_dma2 semaphore(%run_scoped3A : memref<!tpu.dma_semaphore, #tpu.memory_space<semaphore_mem>>) src(%arg6 : memref<128x16xf32, #tpu.memory_space<vmem>>) dst(%dma_wait3A_54 : memref<128x16xf32, #tpu.memory_space<vmem_shared>>)
      tpu.yield
    }) : () -> ()
    %broadcast_in_dim3A_28 = arith.constant 1.000000e+00 : f32
    %broadcast_in_dim3A_29 = vector.broadcast %broadcast_in_dim3A_28 : f32 to vector<16xf32>
    %scan3A_30 = arith.constant 0 : i32
    %scan3A_31 = arith.constant 0 : i32
    %scan3A_32 = arith.constant 128 : i32
    %scan3A_33 = arith.addi %scan3A_31, %scan3A_32 : i32
    %scan3A_34 = arith.constant 1 : i32
    %scan3A_35 = scf.for %scan3A_49 = %scan3A_31 to %scan3A_33 step %scan3A_34 iter_args(%scan3A_50 = %scan3A_30) -> (i32)  : i32 {
      %swap3A = arith.index_cast %scan3A_49 : i32 to index
      %swap3A_51 = arith.constant 0 : index
      %swap3A_52 = tpu.vector_load %arg6[%swap3A, %swap3A_51] {strides = array<i32>} : memref<128x16xf32, #tpu.memory_space<vmem>>, vector<1x16xf32>,
      %swap3A_53 = vector.shape_cast %swap3A_52 : vector<1x16xf32> to vector<16xf32>
      %swap3A_54 = vector.shape_cast %broadcast_in_dim3A_29 : vector<16xf32> to vector<1x16xf32>
      tpu.vector_store %arg6[%swap3A, %swap3A_51], %swap3A_54 {strides = array<i32>} : memref<128x16xf32, #tpu.memory_space<vmem>>, vector<1x16xf32>,
      %scan3A_55 = arith.constant 0 : i32
      scf.yield %scan3A_55 : i32
    }
    %scan3A_36 = arith.constant 128 : i32
    "tpu.region"() ({
      %run_scoped3A = tpu.sem_alloc : memref<!tpu.dma_semaphore, #tpu.memory_space<semaphore_mem>>
      %dma_start3A = arith.constant 0 : i32
      %dma_start3A_49 = arith.constant 0 : i32
      %dma_start3A_50 = tpu.memref_slice %arg2[%add3A, %dma_start3A, %dma_start3A_49] : memref<32x79x128xi32, #tpu.memory_space<hbm>> -> memref<1x79x128xi32, #tpu.memory_space<hbm>>
      %dma_start3A_51 = tpu.memref_squeeze %dma_start3A_50 : memref<1x79x128xi32, #tpu.memory_space<hbm>> -> memref<79x128xi32, #tpu.memory_space<hbm>>
      %dma_start3A_52 = arith.constant 0 : i32
      %dma_start3A_53 = arith.constant 0 : i32
      %dma_start3A_54 = tpu.memref_slice %arg2[%add3A, %dma_start3A_52, %dma_start3A_53] : memref<32x79x128xi32, #tpu.memory_space<hbm>> -> memref<1x79x128xi32, #tpu.memory_space<hbm>>
      %dma_start3A_55 = tpu.memref_squeeze %dma_start3A_54 : memref<1x79x128xi32, #tpu.memory_space<hbm>> -> memref<79x128xi32, #tpu.memory_space<hbm>>
      tpu.enqueue_dma source(%dma_start3A_55 : memref<79x128xi32, #tpu.memory_space<hbm>>) target(%arg5 : memref<79x128xi32, #tpu.memory_space<vmem>>) target_semaphore(%run_scoped3A : memref<!tpu.dma_semaphore, #tpu.memory_space<semaphore_mem>>)
      %dma_wait3A = arith.constant 0 : i32
      %dma_wait3A_56 = arith.constant 0 : i32
      %dma_wait3A_57 = tpu.memref_slice %arg2[%add3A, %dma_wait3A, %dma_wait3A_56] : memref<32x79x128xi32, #tpu.memory_space<hbm>> -> memref<1x79x128xi32, #tpu.memory_space<hbm>>
      %dma_wait3A_58 = tpu.memref_squeeze %dma_wait3A_57 : memref<1x79x128xi32, #tpu.memory_space<hbm>> -> memref<79x128xi32, #tpu.memory_space<hbm>>
      %dma_wait3A_59 = arith.constant 0 : i32
      %dma_wait3A_60 = arith.constant 0 : i32
      %dma_wait3A_61 = tpu.memref_slice %arg2[%add3A, %dma_wait3A_59, %dma_wait3A_60] : memref<32x79x128xi32, #tpu.memory_space<hbm>> -> memref<1x79x128xi32, #tpu.memory_space<hbm>>
      %dma_wait3A_62 = tpu.memref_squeeze %dma_wait3A_61 : memref<1x79x128xi32, #tpu.memory_space<hbm>> -> memref<79x128xi32, #tpu.memory_space<hbm>>
      tpu.wait_dma2 semaphore(%run_scoped3A : memref<!tpu.dma_semaphore, #tpu.memory_space<semaphore_mem>>) src(%dma_wait3A_62 : memref<79x128xi32, #tpu.memory_space<hbm>>) dst(%arg5 : memref<79x128xi32, #tpu.memory_space<vmem>>)
      tpu.yield
    }) : () -> ()
    %barrier3A = arith.constant 0 : index
    tpu.barrier barrier_id(%barrier3A)
    %scan3A_37 = arith.constant 0 : i32
    %scan3A_38 = arith.constant 0 : i32
    %scan3A_39 = arith.constant 79 : i32
    %scan3A_40 = arith.addi %scan3A_38, %scan3A_39 : i32
    %scan3A_41 = arith.constant 1 : i32
    %scan3A_42 = scf.for %scan3A_49 = %scan3A_38 to %scan3A_40 step %scan3A_41 iter_args(%scan3A_50 = %scan3A_37) -> (i32)  : i32 {
      "tpu.region"() ({
        %run_scoped3A = tpu.sem_alloc : memref<!tpu.dma_semaphore, #tpu.memory_space<semaphore_mem>>
        %dma_start3A = arith.constant 0 : i32
        %dma_start3A_52 = tpu.memref_slice %arg5[%scan3A_49, %dma_start3A] : memref<79x128xi32, #tpu.memory_space<vmem>> -> memref<1x128xi32, #tpu.memory_space<vmem>>
        %dma_start3A_53 = tpu.memref_squeeze %dma_start3A_52 : memref<1x128xi32, #tpu.memory_space<vmem>> -> memref<128xi32, #tpu.memory_space<vmem>>
        %dma_start3A_54 = arith.constant 0 : i32
        %dma_start3A_55 = arith.constant 0 : i32
        %dma_start3A_56 = tpu.memref_slice %arg4[%dma_start3A_54, %dma_start3A_55] : memref<10240x16xf32, #tpu.memory_space<vmem_shared>> -> memref<10240x16xf32, #tpu.memory_space<vmem_shared>>
        tpu.enqueue_indirect_dma source(%arg6 : memref<128x16xf32, #tpu.memory_space<vmem>>) target(%dma_start3A_56 : memref<10240x16xf32, #tpu.memory_space<vmem_shared>>) offsets(%dma_start3A_53 : memref<128xi32, #tpu.memory_space<vmem>>) semaphore(%run_scoped3A : memref<!tpu.dma_semaphore, #tpu.memory_space<semaphore_mem>>) {add = true}
        %dma_wait3A = arith.constant 0 : i32
        %dma_wait3A_57 = tpu.memref_slice %arg5[%scan3A_49, %dma_wait3A] : memref<79x128xi32, #tpu.memory_space<vmem>> -> memref<1x128xi32, #tpu.memory_space<vmem>>
        %dma_wait3A_58 = tpu.memref_squeeze %dma_wait3A_57 : memref<1x128xi32, #tpu.memory_space<vmem>> -> memref<128xi32, #tpu.memory_space<vmem>>
        %dma_wait3A_59 = arith.constant 0 : i32
        %dma_wait3A_60 = arith.constant 0 : i32
        %dma_wait3A_61 = tpu.memref_slice %arg4[%dma_wait3A_59, %dma_wait3A_60] : memref<10240x16xf32, #tpu.memory_space<vmem_shared>> -> memref<10240x16xf32, #tpu.memory_space<vmem_shared>>
        tpu.wait_indirect_dma semaphore(%run_scoped3A : memref<!tpu.dma_semaphore, #tpu.memory_space<semaphore_mem>>) src(%arg6 : memref<128x16xf32, #tpu.memory_space<vmem>>) dst(%dma_wait3A_61 : memref<10240x16xf32, #tpu.memory_space<vmem_shared>>)
        tpu.yield
      }) : () -> ()
      %scan3A_51 = arith.constant 0 : i32
      scf.yield %scan3A_51 : i32
    }
    %scan3A_43 = arith.constant 79 : i32
    %barrier3A_44 = arith.constant 0 : index
    tpu.barrier barrier_id(%barrier3A_44)
    %mul3A_45 = arith.constant 640 : i32
    %mul3A_46 = arith.muli %arg1, %mul3A_45 : i32
    %mul3A_47 = arith.constant 640 : i32
    %mul3A_48 = arith.muli %arg1, %mul3A_47 : i32
    "tpu.region"() ({
      %run_scoped3A = tpu.sem_alloc : memref<!tpu.dma_semaphore, #tpu.memory_space<semaphore_mem>>
      %dma_start3A = arith.constant 0 : i32
      %dma_start3A_49 = tpu.memref_slice %arg3[%arg0, %mul3A_48, %dma_start3A] : memref<2x10240x16xf32, #tpu.memory_space<hbm>> -> memref<1x640x16xf32, #tpu.memory_space<hbm>>
      %dma_start3A_50 = tpu.memref_squeeze %dma_start3A_49 : memref<1x640x16xf32, #tpu.memory_space<hbm>> -> memref<640x16xf32, #tpu.memory_space<hbm>>
      %dma_start3A_51 = arith.constant 0 : i32
      %dma_start3A_52 = tpu.memref_slice %arg4[%mul3A_46, %dma_start3A_51] : memref<10240x16xf32, #tpu.memory_space<vmem_shared>> -> memref<640x16xf32, #tpu.memory_space<vmem_shared>>
      tpu.enqueue_dma source(%dma_start3A_52 : memref<640x16xf32, #tpu.memory_space<vmem_shared>>) target(%dma_start3A_50 : memref<640x16xf32, #tpu.memory_space<hbm>>) target_semaphore(%run_scoped3A : memref<!tpu.dma_semaphore, #tpu.memory_space<semaphore_mem>>)
      %dma_wait3A = arith.constant 0 : i32
      %dma_wait3A_53 = tpu.memref_slice %arg3[%arg0, %mul3A_48, %dma_wait3A] : memref<2x10240x16xf32, #tpu.memory_space<hbm>> -> memref<1x640x16xf32, #tpu.memory_space<hbm>>
      %dma_wait3A_54 = tpu.memref_squeeze %dma_wait3A_53 : memref<1x640x16xf32, #tpu.memory_space<hbm>> -> memref<640x16xf32, #tpu.memory_space<hbm>>
      %dma_wait3A_55 = arith.constant 0 : i32
      %dma_wait3A_56 = tpu.memref_slice %arg4[%mul3A_46, %dma_wait3A_55] : memref<10240x16xf32, #tpu.memory_space<vmem_shared>> -> memref<640x16xf32, #tpu.memory_space<vmem_shared>>
      tpu.wait_dma2 semaphore(%run_scoped3A : memref<!tpu.dma_semaphore, #tpu.memory_space<semaphore_mem>>) src(%dma_wait3A_56 : memref<640x16xf32, #tpu.memory_space<vmem_shared>>) dst(%dma_wait3A_54 : memref<640x16xf32, #tpu.memory_space<hbm>>)
      tpu.yield
    }) : () -> ()
    return
  }
}

#map = affine_map<(d0, d1) -> (0, 0)>
#map1 = affine_map<(d0, d1) -> (0, 0, 0)>
module attributes {stable_mosaic.version = 14 : i64} {
  func.func @body(%arg0: i32, %arg1: i32, %arg2: memref<10240x16xf32, #tpu.memory_space<hbm>>, %arg3: memref<32x79x128xi32, #tpu.memory_space<hbm>>, %arg4: memref<32x79x128xi32, #tpu.memory_space<hbm>>, %arg5: memref<2x10240x16xf32, #tpu.memory_space<hbm>>, %arg6: memref<10240x16xf32, #tpu.memory_space<vmem_shared>>, %arg7: memref<10240x16xf32, #tpu.memory_space<vmem_shared>>, %arg8: memref<79x128xi32, #tpu.memory_space<vmem>>, %arg9: memref<79x128xi32, #tpu.memory_space<vmem>>, %arg10: memref<128x16xf32, #tpu.memory_space<vmem>>, %arg11: memref<!tpu.dma_semaphore, #tpu.memory_space<semaphore_mem>>, %arg12: memref<128x16xf32, #tpu.memory_space<vmem>>, %arg13: memref<!tpu.dma_semaphore, #tpu.memory_space<semaphore_mem>>, %arg14: memref<128x16xf32, #tpu.memory_space<vmem>>, %arg15: memref<!tpu.dma_semaphore, #tpu.memory_space<semaphore_mem>>, %arg16: memref<128x16xf32, #tpu.memory_space<vmem>>, %arg17: memref<!tpu.dma_semaphore, #tpu.memory_space<semaphore_mem>>) attributes {dimension_semantics = [#tpu.dimension_semantics<core_parallel>, #tpu.dimension_semantics<subcore_parallel>], iteration_bounds = array<i64: 2, 16>, scalar_prefetch = 0 : i64, scratch_operands = 12 : i64, tpu.core_type = #tpu.core_type<sc_vector_subcore>, window_params = [{transform_indices = #map}, {transform_indices = #map1}, {transform_indices = #map1}, {transform_indices = #map1}]} {
    %mul3A = arith.constant 2 : i32
    %mul3A_0 = arith.muli %arg1, %mul3A : i32
    %add3A = arith.addi %mul3A_0, %arg0 : i32
    %broadcast_in_dim3A = arith.constant 0.000000e+00 : f32
    %broadcast_in_dim3A_1 = vector.broadcast %broadcast_in_dim3A : f32 to vector<16xf32>
    %scan3A = arith.constant 0 : i32
    %scan3A_2 = arith.constant 0 : i32
    %scan3A_3 = arith.constant 128 : i32
    %scan3A_4 = arith.addi %scan3A_2, %scan3A_3 : i32
    %scan3A_5 = arith.constant 1 : i32
    %scan3A_6 = scf.for %scan3A_122 = %scan3A_2 to %scan3A_4 step %scan3A_5 iter_args(%scan3A_123 = %scan3A) -> (i32)  : i32 {
      %swap3A = arith.index_cast %scan3A_122 : i32 to index
      %swap3A_124 = arith.constant 0 : index
      %swap3A_125 = tpu.vector_load %arg10[%swap3A, %swap3A_124] {strides = array<i32>} : memref<128x16xf32, #tpu.memory_space<vmem>>, vector<1x16xf32>,
      %swap3A_126 = vector.shape_cast %swap3A_125 : vector<1x16xf32> to vector<16xf32>
      %swap3A_127 = vector.shape_cast %broadcast_in_dim3A_1 : vector<16xf32> to vector<1x16xf32>
      tpu.vector_store %arg10[%swap3A, %swap3A_124], %swap3A_127 {strides = array<i32>} : memref<128x16xf32, #tpu.memory_space<vmem>>, vector<1x16xf32>,
      %scan3A_128 = arith.constant 0 : i32
      scf.yield %scan3A_128 : i32
    }
    %scan3A_7 = arith.constant 128 : i32
    %mul3A_8 = arith.constant 640 : i32
    %mul3A_9 = arith.muli %arg1, %mul3A_8 : i32
    %add3A_10 = arith.constant 0 : i32
    %add3A_11 = arith.addi %mul3A_9, %add3A_10 : i32
    "tpu.region"() ({
      %run_scoped3A_122 = tpu.sem_alloc : memref<!tpu.dma_semaphore, #tpu.memory_space<semaphore_mem>>
      %dma_start3A_123 = arith.constant 0 : i32
      %dma_start3A_124 = tpu.memref_slice %arg7[%add3A_11, %dma_start3A_123] : memref<10240x16xf32, #tpu.memory_space<vmem_shared>> -> memref<128x16xf32, #tpu.memory_space<vmem_shared>>
      %dma_start3A_125 = arith.constant 0 : i32
      %dma_start3A_126 = tpu.memref_slice %arg7[%add3A_11, %dma_start3A_125] : memref<10240x16xf32, #tpu.memory_space<vmem_shared>> -> memref<128x16xf32, #tpu.memory_space<vmem_shared>>
      tpu.enqueue_dma source(%arg10 : memref<128x16xf32, #tpu.memory_space<vmem>>) target(%dma_start3A_126 : memref<128x16xf32, #tpu.memory_space<vmem_shared>>) target_semaphore(%run_scoped3A_122 : memref<!tpu.dma_semaphore, #tpu.memory_space<semaphore_mem>>)
      %dma_wait3A_127 = arith.constant 0 : i32
      %dma_wait3A_128 = tpu.memref_slice %arg7[%add3A_11, %dma_wait3A_127] : memref<10240x16xf32, #tpu.memory_space<vmem_shared>> -> memref<128x16xf32, #tpu.memory_space<vmem_shared>>
      %dma_wait3A_129 = arith.constant 0 : i32
      %dma_wait3A_130 = tpu.memref_slice %arg7[%add3A_11, %dma_wait3A_129] : memref<10240x16xf32, #tpu.memory_space<vmem_shared>> -> memref<128x16xf32, #tpu.memory_space<vmem_shared>>
      tpu.wait_dma2 semaphore(%run_scoped3A_122 : memref<!tpu.dma_semaphore, #tpu.memory_space<semaphore_mem>>) src(%arg10 : memref<128x16xf32, #tpu.memory_space<vmem>>) dst(%dma_wait3A_130 : memref<128x16xf32, #tpu.memory_space<vmem_shared>>)
      tpu.yield
    }) : () -> ()
    %mul3A_12 = arith.constant 640 : i32
    %mul3A_13 = arith.muli %arg1, %mul3A_12 : i32
    %add3A_14 = arith.constant 128 : i32
    %add3A_15 = arith.addi %mul3A_13, %add3A_14 : i32
    "tpu.region"() ({
      %run_scoped3A_122 = tpu.sem_alloc : memref<!tpu.dma_semaphore, #tpu.memory_space<semaphore_mem>>
      %dma_start3A_123 = arith.constant 0 : i32
      %dma_start3A_124 = tpu.memref_slice %arg7[%add3A_15, %dma_start3A_123] : memref<10240x16xf32, #tpu.memory_space<vmem_shared>> -> memref<128x16xf32, #tpu.memory_space<vmem_shared>>
      %dma_start3A_125 = arith.constant 0 : i32
      %dma_start3A_126 = tpu.memref_slice %arg7[%add3A_15, %dma_start3A_125] : memref<10240x16xf32, #tpu.memory_space<vmem_shared>> -> memref<128x16xf32, #tpu.memory_space<vmem_shared>>
      tpu.enqueue_dma source(%arg10 : memref<128x16xf32, #tpu.memory_space<vmem>>) target(%dma_start3A_126 : memref<128x16xf32, #tpu.memory_space<vmem_shared>>) target_semaphore(%run_scoped3A_122 : memref<!tpu.dma_semaphore, #tpu.memory_space<semaphore_mem>>)
      %dma_wait3A_127 = arith.constant 0 : i32
      %dma_wait3A_128 = tpu.memref_slice %arg7[%add3A_15, %dma_wait3A_127] : memref<10240x16xf32, #tpu.memory_space<vmem_shared>> -> memref<128x16xf32, #tpu.memory_space<vmem_shared>>
      %dma_wait3A_129 = arith.constant 0 : i32
      %dma_wait3A_130 = tpu.memref_slice %arg7[%add3A_15, %dma_wait3A_129] : memref<10240x16xf32, #tpu.memory_space<vmem_shared>> -> memref<128x16xf32, #tpu.memory_space<vmem_shared>>
      tpu.wait_dma2 semaphore(%run_scoped3A_122 : memref<!tpu.dma_semaphore, #tpu.memory_space<semaphore_mem>>) src(%arg10 : memref<128x16xf32, #tpu.memory_space<vmem>>) dst(%dma_wait3A_130 : memref<128x16xf32, #tpu.memory_space<vmem_shared>>)
      tpu.yield
    }) : () -> ()
    %mul3A_16 = arith.constant 640 : i32
    %mul3A_17 = arith.muli %arg1, %mul3A_16 : i32
    %add3A_18 = arith.constant 256 : i32
    %add3A_19 = arith.addi %mul3A_17, %add3A_18 : i32
    "tpu.region"() ({
      %run_scoped3A_122 = tpu.sem_alloc : memref<!tpu.dma_semaphore, #tpu.memory_space<semaphore_mem>>
      %dma_start3A_123 = arith.constant 0 : i32
      %dma_start3A_124 = tpu.memref_slice %arg7[%add3A_19, %dma_start3A_123] : memref<10240x16xf32, #tpu.memory_space<vmem_shared>> -> memref<128x16xf32, #tpu.memory_space<vmem_shared>>
      %dma_start3A_125 = arith.constant 0 : i32
      %dma_start3A_126 = tpu.memref_slice %arg7[%add3A_19, %dma_start3A_125] : memref<10240x16xf32, #tpu.memory_space<vmem_shared>> -> memref<128x16xf32, #tpu.memory_space<vmem_shared>>
      tpu.enqueue_dma source(%arg10 : memref<128x16xf32, #tpu.memory_space<vmem>>) target(%dma_start3A_126 : memref<128x16xf32, #tpu.memory_space<vmem_shared>>) target_semaphore(%run_scoped3A_122 : memref<!tpu.dma_semaphore, #tpu.memory_space<semaphore_mem>>)
      %dma_wait3A_127 = arith.constant 0 : i32
      %dma_wait3A_128 = tpu.memref_slice %arg7[%add3A_19, %dma_wait3A_127] : memref<10240x16xf32, #tpu.memory_space<vmem_shared>> -> memref<128x16xf32, #tpu.memory_space<vmem_shared>>
      %dma_wait3A_129 = arith.constant 0 : i32
      %dma_wait3A_130 = tpu.memref_slice %arg7[%add3A_19, %dma_wait3A_129] : memref<10240x16xf32, #tpu.memory_space<vmem_shared>> -> memref<128x16xf32, #tpu.memory_space<vmem_shared>>
      tpu.wait_dma2 semaphore(%run_scoped3A_122 : memref<!tpu.dma_semaphore, #tpu.memory_space<semaphore_mem>>) src(%arg10 : memref<128x16xf32, #tpu.memory_space<vmem>>) dst(%dma_wait3A_130 : memref<128x16xf32, #tpu.memory_space<vmem_shared>>)
      tpu.yield
    }) : () -> ()
    %mul3A_20 = arith.constant 640 : i32
    %mul3A_21 = arith.muli %arg1, %mul3A_20 : i32
    %add3A_22 = arith.constant 384 : i32
    %add3A_23 = arith.addi %mul3A_21, %add3A_22 : i32
    "tpu.region"() ({
      %run_scoped3A_122 = tpu.sem_alloc : memref<!tpu.dma_semaphore, #tpu.memory_space<semaphore_mem>>
      %dma_start3A_123 = arith.constant 0 : i32
      %dma_start3A_124 = tpu.memref_slice %arg7[%add3A_23, %dma_start3A_123] : memref<10240x16xf32, #tpu.memory_space<vmem_shared>> -> memref<128x16xf32, #tpu.memory_space<vmem_shared>>
      %dma_start3A_125 = arith.constant 0 : i32
      %dma_start3A_126 = tpu.memref_slice %arg7[%add3A_23, %dma_start3A_125] : memref<10240x16xf32, #tpu.memory_space<vmem_shared>> -> memref<128x16xf32, #tpu.memory_space<vmem_shared>>
      tpu.enqueue_dma source(%arg10 : memref<128x16xf32, #tpu.memory_space<vmem>>) target(%dma_start3A_126 : memref<128x16xf32, #tpu.memory_space<vmem_shared>>) target_semaphore(%run_scoped3A_122 : memref<!tpu.dma_semaphore, #tpu.memory_space<semaphore_mem>>)
      %dma_wait3A_127 = arith.constant 0 : i32
      %dma_wait3A_128 = tpu.memref_slice %arg7[%add3A_23, %dma_wait3A_127] : memref<10240x16xf32, #tpu.memory_space<vmem_shared>> -> memref<128x16xf32, #tpu.memory_space<vmem_shared>>
      %dma_wait3A_129 = arith.constant 0 : i32
      %dma_wait3A_130 = tpu.memref_slice %arg7[%add3A_23, %dma_wait3A_129] : memref<10240x16xf32, #tpu.memory_space<vmem_shared>> -> memref<128x16xf32, #tpu.memory_space<vmem_shared>>
      tpu.wait_dma2 semaphore(%run_scoped3A_122 : memref<!tpu.dma_semaphore, #tpu.memory_space<semaphore_mem>>) src(%arg10 : memref<128x16xf32, #tpu.memory_space<vmem>>) dst(%dma_wait3A_130 : memref<128x16xf32, #tpu.memory_space<vmem_shared>>)
      tpu.yield
    }) : () -> ()
    %mul3A_24 = arith.constant 640 : i32
    %mul3A_25 = arith.muli %arg1, %mul3A_24 : i32
    %add3A_26 = arith.constant 512 : i32
    %add3A_27 = arith.addi %mul3A_25, %add3A_26 : i32
    "tpu.region"() ({
      %run_scoped3A_122 = tpu.sem_alloc : memref<!tpu.dma_semaphore, #tpu.memory_space<semaphore_mem>>
      %dma_start3A_123 = arith.constant 0 : i32
      %dma_start3A_124 = tpu.memref_slice %arg7[%add3A_27, %dma_start3A_123] : memref<10240x16xf32, #tpu.memory_space<vmem_shared>> -> memref<128x16xf32, #tpu.memory_space<vmem_shared>>
      %dma_start3A_125 = arith.constant 0 : i32
      %dma_start3A_126 = tpu.memref_slice %arg7[%add3A_27, %dma_start3A_125] : memref<10240x16xf32, #tpu.memory_space<vmem_shared>> -> memref<128x16xf32, #tpu.memory_space<vmem_shared>>
      tpu.enqueue_dma source(%arg10 : memref<128x16xf32, #tpu.memory_space<vmem>>) target(%dma_start3A_126 : memref<128x16xf32, #tpu.memory_space<vmem_shared>>) target_semaphore(%run_scoped3A_122 : memref<!tpu.dma_semaphore, #tpu.memory_space<semaphore_mem>>)
      %dma_wait3A_127 = arith.constant 0 : i32
      %dma_wait3A_128 = tpu.memref_slice %arg7[%add3A_27, %dma_wait3A_127] : memref<10240x16xf32, #tpu.memory_space<vmem_shared>> -> memref<128x16xf32, #tpu.memory_space<vmem_shared>>
      %dma_wait3A_129 = arith.constant 0 : i32
      %dma_wait3A_130 = tpu.memref_slice %arg7[%add3A_27, %dma_wait3A_129] : memref<10240x16xf32, #tpu.memory_space<vmem_shared>> -> memref<128x16xf32, #tpu.memory_space<vmem_shared>>
      tpu.wait_dma2 semaphore(%run_scoped3A_122 : memref<!tpu.dma_semaphore, #tpu.memory_space<semaphore_mem>>) src(%arg10 : memref<128x16xf32, #tpu.memory_space<vmem>>) dst(%dma_wait3A_130 : memref<128x16xf32, #tpu.memory_space<vmem_shared>>)
      tpu.yield
    }) : () -> ()
    %mul3A_28 = arith.constant 640 : i32
    %mul3A_29 = arith.muli %arg1, %mul3A_28 : i32
    %add3A_30 = arith.constant 0 : i32
    %add3A_31 = arith.addi %mul3A_29, %add3A_30 : i32
    "tpu.region"() ({
      %run_scoped3A_122 = tpu.sem_alloc : memref<!tpu.dma_semaphore, #tpu.memory_space<semaphore_mem>>
      %dma_start3A_123 = arith.constant 0 : i32
      %dma_start3A_124 = tpu.memref_slice %arg2[%add3A_31, %dma_start3A_123] : memref<10240x16xf32, #tpu.memory_space<hbm>> -> memref<128x16xf32, #tpu.memory_space<hbm>>
      %dma_start3A_125 = arith.constant 0 : i32
      %dma_start3A_126 = tpu.memref_slice %arg2[%add3A_31, %dma_start3A_125] : memref<10240x16xf32, #tpu.memory_space<hbm>> -> memref<128x16xf32, #tpu.memory_space<hbm>>
      tpu.enqueue_dma source(%dma_start3A_126 : memref<128x16xf32, #tpu.memory_space<hbm>>) target(%arg10 : memref<128x16xf32, #tpu.memory_space<vmem>>) target_semaphore(%run_scoped3A_122 : memref<!tpu.dma_semaphore, #tpu.memory_space<semaphore_mem>>)
      %dma_wait3A_127 = arith.constant 0 : i32
      %dma_wait3A_128 = tpu.memref_slice %arg2[%add3A_31, %dma_wait3A_127] : memref<10240x16xf32, #tpu.memory_space<hbm>> -> memref<128x16xf32, #tpu.memory_space<hbm>>
      %dma_wait3A_129 = arith.constant 0 : i32
      %dma_wait3A_130 = tpu.memref_slice %arg2[%add3A_31, %dma_wait3A_129] : memref<10240x16xf32, #tpu.memory_space<hbm>> -> memref<128x16xf32, #tpu.memory_space<hbm>>
      tpu.wait_dma2 semaphore(%run_scoped3A_122 : memref<!tpu.dma_semaphore, #tpu.memory_space<semaphore_mem>>) src(%dma_wait3A_130 : memref<128x16xf32, #tpu.memory_space<hbm>>) dst(%arg10 : memref<128x16xf32, #tpu.memory_space<vmem>>)
      tpu.yield
    }) : () -> ()
    %mul3A_32 = arith.constant 640 : i32
    %mul3A_33 = arith.muli %arg1, %mul3A_32 : i32
    %add3A_34 = arith.constant 0 : i32
    %add3A_35 = arith.addi %mul3A_33, %add3A_34 : i32
    "tpu.region"() ({
      %run_scoped3A_122 = tpu.sem_alloc : memref<!tpu.dma_semaphore, #tpu.memory_space<semaphore_mem>>
      %dma_start3A_123 = arith.constant 0 : i32
      %dma_start3A_124 = tpu.memref_slice %arg6[%add3A_35, %dma_start3A_123] : memref<10240x16xf32, #tpu.memory_space<vmem_shared>> -> memref<128x16xf32, #tpu.memory_space<vmem_shared>>
      %dma_start3A_125 = arith.constant 0 : i32
      %dma_start3A_126 = tpu.memref_slice %arg6[%add3A_35, %dma_start3A_125] : memref<10240x16xf32, #tpu.memory_space<vmem_shared>> -> memref<128x16xf32, #tpu.memory_space<vmem_shared>>
      tpu.enqueue_dma source(%arg10 : memref<128x16xf32, #tpu.memory_space<vmem>>) target(%dma_start3A_126 : memref<128x16xf32, #tpu.memory_space<vmem_shared>>) target_semaphore(%run_scoped3A_122 : memref<!tpu.dma_semaphore, #tpu.memory_space<semaphore_mem>>)
      %dma_wait3A_127 = arith.constant 0 : i32
      %dma_wait3A_128 = tpu.memref_slice %arg6[%add3A_35, %dma_wait3A_127] : memref<10240x16xf32, #tpu.memory_space<vmem_shared>> -> memref<128x16xf32, #tpu.memory_space<vmem_shared>>
      %dma_wait3A_129 = arith.constant 0 : i32
      %dma_wait3A_130 = tpu.memref_slice %arg6[%add3A_35, %dma_wait3A_129] : memref<10240x16xf32, #tpu.memory_space<vmem_shared>> -> memref<128x16xf32, #tpu.memory_space<vmem_shared>>
      tpu.wait_dma2 semaphore(%run_scoped3A_122 : memref<!tpu.dma_semaphore, #tpu.memory_space<semaphore_mem>>) src(%arg10 : memref<128x16xf32, #tpu.memory_space<vmem>>) dst(%dma_wait3A_130 : memref<128x16xf32, #tpu.memory_space<vmem_shared>>)
      tpu.yield
    }) : () -> ()
    %mul3A_36 = arith.constant 640 : i32
    %mul3A_37 = arith.muli %arg1, %mul3A_36 : i32
    %add3A_38 = arith.constant 128 : i32
    %add3A_39 = arith.addi %mul3A_37, %add3A_38 : i32
    "tpu.region"() ({
      %run_scoped3A_122 = tpu.sem_alloc : memref<!tpu.dma_semaphore, #tpu.memory_space<semaphore_mem>>
      %dma_start3A_123 = arith.constant 0 : i32
      %dma_start3A_124 = tpu.memref_slice %arg2[%add3A_39, %dma_start3A_123] : memref<10240x16xf32, #tpu.memory_space<hbm>> -> memref<128x16xf32, #tpu.memory_space<hbm>>
      %dma_start3A_125 = arith.constant 0 : i32
      %dma_start3A_126 = tpu.memref_slice %arg2[%add3A_39, %dma_start3A_125] : memref<10240x16xf32, #tpu.memory_space<hbm>> -> memref<128x16xf32, #tpu.memory_space<hbm>>
      tpu.enqueue_dma source(%dma_start3A_126 : memref<128x16xf32, #tpu.memory_space<hbm>>) target(%arg10 : memref<128x16xf32, #tpu.memory_space<vmem>>) target_semaphore(%run_scoped3A_122 : memref<!tpu.dma_semaphore, #tpu.memory_space<semaphore_mem>>)
      %dma_wait3A_127 = arith.constant 0 : i32
      %dma_wait3A_128 = tpu.memref_slice %arg2[%add3A_39, %dma_wait3A_127] : memref<10240x16xf32, #tpu.memory_space<hbm>> -> memref<128x16xf32, #tpu.memory_space<hbm>>
      %dma_wait3A_129 = arith.constant 0 : i32
      %dma_wait3A_130 = tpu.memref_slice %arg2[%add3A_39, %dma_wait3A_129] : memref<10240x16xf32, #tpu.memory_space<hbm>> -> memref<128x16xf32, #tpu.memory_space<hbm>>
      tpu.wait_dma2 semaphore(%run_scoped3A_122 : memref<!tpu.dma_semaphore, #tpu.memory_space<semaphore_mem>>) src(%dma_wait3A_130 : memref<128x16xf32, #tpu.memory_space<hbm>>) dst(%arg10 : memref<128x16xf32, #tpu.memory_space<vmem>>)
      tpu.yield
    }) : () -> ()
    %mul3A_40 = arith.constant 640 : i32
    %mul3A_41 = arith.muli %arg1, %mul3A_40 : i32
    %add3A_42 = arith.constant 128 : i32
    %add3A_43 = arith.addi %mul3A_41, %add3A_42 : i32
    "tpu.region"() ({
      %run_scoped3A_122 = tpu.sem_alloc : memref<!tpu.dma_semaphore, #tpu.memory_space<semaphore_mem>>
      %dma_start3A_123 = arith.constant 0 : i32
      %dma_start3A_124 = tpu.memref_slice %arg6[%add3A_43, %dma_start3A_123] : memref<10240x16xf32, #tpu.memory_space<vmem_shared>> -> memref<128x16xf32, #tpu.memory_space<vmem_shared>>
      %dma_start3A_125 = arith.constant 0 : i32
      %dma_start3A_126 = tpu.memref_slice %arg6[%add3A_43, %dma_start3A_125] : memref<10240x16xf32, #tpu.memory_space<vmem_shared>> -> memref<128x16xf32, #tpu.memory_space<vmem_shared>>
      tpu.enqueue_dma source(%arg10 : memref<128x16xf32, #tpu.memory_space<vmem>>) target(%dma_start3A_126 : memref<128x16xf32, #tpu.memory_space<vmem_shared>>) target_semaphore(%run_scoped3A_122 : memref<!tpu.dma_semaphore, #tpu.memory_space<semaphore_mem>>)
      %dma_wait3A_127 = arith.constant 0 : i32
      %dma_wait3A_128 = tpu.memref_slice %arg6[%add3A_43, %dma_wait3A_127] : memref<10240x16xf32, #tpu.memory_space<vmem_shared>> -> memref<128x16xf32, #tpu.memory_space<vmem_shared>>
      %dma_wait3A_129 = arith.constant 0 : i32
      %dma_wait3A_130 = tpu.memref_slice %arg6[%add3A_43, %dma_wait3A_129] : memref<10240x16xf32, #tpu.memory_space<vmem_shared>> -> memref<128x16xf32, #tpu.memory_space<vmem_shared>>
      tpu.wait_dma2 semaphore(%run_scoped3A_122 : memref<!tpu.dma_semaphore, #tpu.memory_space<semaphore_mem>>) src(%arg10 : memref<128x16xf32, #tpu.memory_space<vmem>>) dst(%dma_wait3A_130 : memref<128x16xf32, #tpu.memory_space<vmem_shared>>)
      tpu.yield
    }) : () -> ()
    %mul3A_44 = arith.constant 640 : i32
    %mul3A_45 = arith.muli %arg1, %mul3A_44 : i32
    %add3A_46 = arith.constant 256 : i32
    %add3A_47 = arith.addi %mul3A_45, %add3A_46 : i32
    "tpu.region"() ({
      %run_scoped3A_122 = tpu.sem_alloc : memref<!tpu.dma_semaphore, #tpu.memory_space<semaphore_mem>>
      %dma_start3A_123 = arith.constant 0 : i32
      %dma_start3A_124 = tpu.memref_slice %arg2[%add3A_47, %dma_start3A_123] : memref<10240x16xf32, #tpu.memory_space<hbm>> -> memref<128x16xf32, #tpu.memory_space<hbm>>
      %dma_start3A_125 = arith.constant 0 : i32
      %dma_start3A_126 = tpu.memref_slice %arg2[%add3A_47, %dma_start3A_125] : memref<10240x16xf32, #tpu.memory_space<hbm>> -> memref<128x16xf32, #tpu.memory_space<hbm>>
      tpu.enqueue_dma source(%dma_start3A_126 : memref<128x16xf32, #tpu.memory_space<hbm>>) target(%arg10 : memref<128x16xf32, #tpu.memory_space<vmem>>) target_semaphore(%run_scoped3A_122 : memref<!tpu.dma_semaphore, #tpu.memory_space<semaphore_mem>>)
      %dma_wait3A_127 = arith.constant 0 : i32
      %dma_wait3A_128 = tpu.memref_slice %arg2[%add3A_47, %dma_wait3A_127] : memref<10240x16xf32, #tpu.memory_space<hbm>> -> memref<128x16xf32, #tpu.memory_space<hbm>>
      %dma_wait3A_129 = arith.constant 0 : i32
      %dma_wait3A_130 = tpu.memref_slice %arg2[%add3A_47, %dma_wait3A_129] : memref<10240x16xf32, #tpu.memory_space<hbm>> -> memref<128x16xf32, #tpu.memory_space<hbm>>
      tpu.wait_dma2 semaphore(%run_scoped3A_122 : memref<!tpu.dma_semaphore, #tpu.memory_space<semaphore_mem>>) src(%dma_wait3A_130 : memref<128x16xf32, #tpu.memory_space<hbm>>) dst(%arg10 : memref<128x16xf32, #tpu.memory_space<vmem>>)
      tpu.yield
    }) : () -> ()
    %mul3A_48 = arith.constant 640 : i32
    %mul3A_49 = arith.muli %arg1, %mul3A_48 : i32
    %add3A_50 = arith.constant 256 : i32
    %add3A_51 = arith.addi %mul3A_49, %add3A_50 : i32
    "tpu.region"() ({
      %run_scoped3A_122 = tpu.sem_alloc : memref<!tpu.dma_semaphore, #tpu.memory_space<semaphore_mem>>
      %dma_start3A_123 = arith.constant 0 : i32
      %dma_start3A_124 = tpu.memref_slice %arg6[%add3A_51, %dma_start3A_123] : memref<10240x16xf32, #tpu.memory_space<vmem_shared>> -> memref<128x16xf32, #tpu.memory_space<vmem_shared>>
      %dma_start3A_125 = arith.constant 0 : i32
      %dma_start3A_126 = tpu.memref_slice %arg6[%add3A_51, %dma_start3A_125] : memref<10240x16xf32, #tpu.memory_space<vmem_shared>> -> memref<128x16xf32, #tpu.memory_space<vmem_shared>>
      tpu.enqueue_dma source(%arg10 : memref<128x16xf32, #tpu.memory_space<vmem>>) target(%dma_start3A_126 : memref<128x16xf32, #tpu.memory_space<vmem_shared>>) target_semaphore(%run_scoped3A_122 : memref<!tpu.dma_semaphore, #tpu.memory_space<semaphore_mem>>)
      %dma_wait3A_127 = arith.constant 0 : i32
      %dma_wait3A_128 = tpu.memref_slice %arg6[%add3A_51, %dma_wait3A_127] : memref<10240x16xf32, #tpu.memory_space<vmem_shared>> -> memref<128x16xf32, #tpu.memory_space<vmem_shared>>
      %dma_wait3A_129 = arith.constant 0 : i32
      %dma_wait3A_130 = tpu.memref_slice %arg6[%add3A_51, %dma_wait3A_129] : memref<10240x16xf32, #tpu.memory_space<vmem_shared>> -> memref<128x16xf32, #tpu.memory_space<vmem_shared>>
      tpu.wait_dma2 semaphore(%run_scoped3A_122 : memref<!tpu.dma_semaphore, #tpu.memory_space<semaphore_mem>>) src(%arg10 : memref<128x16xf32, #tpu.memory_space<vmem>>) dst(%dma_wait3A_130 : memref<128x16xf32, #tpu.memory_space<vmem_shared>>)
      tpu.yield
    }) : () -> ()
    %mul3A_52 = arith.constant 640 : i32
    %mul3A_53 = arith.muli %arg1, %mul3A_52 : i32
    %add3A_54 = arith.constant 384 : i32
    %add3A_55 = arith.addi %mul3A_53, %add3A_54 : i32
    "tpu.region"() ({
      %run_scoped3A_122 = tpu.sem_alloc : memref<!tpu.dma_semaphore, #tpu.memory_space<semaphore_mem>>
      %dma_start3A_123 = arith.constant 0 : i32
      %dma_start3A_124 = tpu.memref_slice %arg2[%add3A_55, %dma_start3A_123] : memref<10240x16xf32, #tpu.memory_space<hbm>> -> memref<128x16xf32, #tpu.memory_space<hbm>>
      %dma_start3A_125 = arith.constant 0 : i32
      %dma_start3A_126 = tpu.memref_slice %arg2[%add3A_55, %dma_start3A_125] : memref<10240x16xf32, #tpu.memory_space<hbm>> -> memref<128x16xf32, #tpu.memory_space<hbm>>
      tpu.enqueue_dma source(%dma_start3A_126 : memref<128x16xf32, #tpu.memory_space<hbm>>) target(%arg10 : memref<128x16xf32, #tpu.memory_space<vmem>>) target_semaphore(%run_scoped3A_122 : memref<!tpu.dma_semaphore, #tpu.memory_space<semaphore_mem>>)
      %dma_wait3A_127 = arith.constant 0 : i32
      %dma_wait3A_128 = tpu.memref_slice %arg2[%add3A_55, %dma_wait3A_127] : memref<10240x16xf32, #tpu.memory_space<hbm>> -> memref<128x16xf32, #tpu.memory_space<hbm>>
      %dma_wait3A_129 = arith.constant 0 : i32
      %dma_wait3A_130 = tpu.memref_slice %arg2[%add3A_55, %dma_wait3A_129] : memref<10240x16xf32, #tpu.memory_space<hbm>> -> memref<128x16xf32, #tpu.memory_space<hbm>>
      tpu.wait_dma2 semaphore(%run_scoped3A_122 : memref<!tpu.dma_semaphore, #tpu.memory_space<semaphore_mem>>) src(%dma_wait3A_130 : memref<128x16xf32, #tpu.memory_space<hbm>>) dst(%arg10 : memref<128x16xf32, #tpu.memory_space<vmem>>)
      tpu.yield
    }) : () -> ()
    %mul3A_56 = arith.constant 640 : i32
    %mul3A_57 = arith.muli %arg1, %mul3A_56 : i32
    %add3A_58 = arith.constant 384 : i32
    %add3A_59 = arith.addi %mul3A_57, %add3A_58 : i32
    "tpu.region"() ({
      %run_scoped3A_122 = tpu.sem_alloc : memref<!tpu.dma_semaphore, #tpu.memory_space<semaphore_mem>>
      %dma_start3A_123 = arith.constant 0 : i32
      %dma_start3A_124 = tpu.memref_slice %arg6[%add3A_59, %dma_start3A_123] : memref<10240x16xf32, #tpu.memory_space<vmem_shared>> -> memref<128x16xf32, #tpu.memory_space<vmem_shared>>
      %dma_start3A_125 = arith.constant 0 : i32
      %dma_start3A_126 = tpu.memref_slice %arg6[%add3A_59, %dma_start3A_125] : memref<10240x16xf32, #tpu.memory_space<vmem_shared>> -> memref<128x16xf32, #tpu.memory_space<vmem_shared>>
      tpu.enqueue_dma source(%arg10 : memref<128x16xf32, #tpu.memory_space<vmem>>) target(%dma_start3A_126 : memref<128x16xf32, #tpu.memory_space<vmem_shared>>) target_semaphore(%run_scoped3A_122 : memref<!tpu.dma_semaphore, #tpu.memory_space<semaphore_mem>>)
      %dma_wait3A_127 = arith.constant 0 : i32
      %dma_wait3A_128 = tpu.memref_slice %arg6[%add3A_59, %dma_wait3A_127] : memref<10240x16xf32, #tpu.memory_space<vmem_shared>> -> memref<128x16xf32, #tpu.memory_space<vmem_shared>>
      %dma_wait3A_129 = arith.constant 0 : i32
      %dma_wait3A_130 = tpu.memref_slice %arg6[%add3A_59, %dma_wait3A_129] : memref<10240x16xf32, #tpu.memory_space<vmem_shared>> -> memref<128x16xf32, #tpu.memory_space<vmem_shared>>
      tpu.wait_dma2 semaphore(%run_scoped3A_122 : memref<!tpu.dma_semaphore, #tpu.memory_space<semaphore_mem>>) src(%arg10 : memref<128x16xf32, #tpu.memory_space<vmem>>) dst(%dma_wait3A_130 : memref<128x16xf32, #tpu.memory_space<vmem_shared>>)
      tpu.yield
    }) : () -> ()
    %mul3A_60 = arith.constant 640 : i32
    %mul3A_61 = arith.muli %arg1, %mul3A_60 : i32
    %add3A_62 = arith.constant 512 : i32
    %add3A_63 = arith.addi %mul3A_61, %add3A_62 : i32
    "tpu.region"() ({
      %run_scoped3A_122 = tpu.sem_alloc : memref<!tpu.dma_semaphore, #tpu.memory_space<semaphore_mem>>
      %dma_start3A_123 = arith.constant 0 : i32
      %dma_start3A_124 = tpu.memref_slice %arg2[%add3A_63, %dma_start3A_123] : memref<10240x16xf32, #tpu.memory_space<hbm>> -> memref<128x16xf32, #tpu.memory_space<hbm>>
      %dma_start3A_125 = arith.constant 0 : i32
      %dma_start3A_126 = tpu.memref_slice %arg2[%add3A_63, %dma_start3A_125] : memref<10240x16xf32, #tpu.memory_space<hbm>> -> memref<128x16xf32, #tpu.memory_space<hbm>>
      tpu.enqueue_dma source(%dma_start3A_126 : memref<128x16xf32, #tpu.memory_space<hbm>>) target(%arg10 : memref<128x16xf32, #tpu.memory_space<vmem>>) target_semaphore(%run_scoped3A_122 : memref<!tpu.dma_semaphore, #tpu.memory_space<semaphore_mem>>)
      %dma_wait3A_127 = arith.constant 0 : i32
      %dma_wait3A_128 = tpu.memref_slice %arg2[%add3A_63, %dma_wait3A_127] : memref<10240x16xf32, #tpu.memory_space<hbm>> -> memref<128x16xf32, #tpu.memory_space<hbm>>
      %dma_wait3A_129 = arith.constant 0 : i32
      %dma_wait3A_130 = tpu.memref_slice %arg2[%add3A_63, %dma_wait3A_129] : memref<10240x16xf32, #tpu.memory_space<hbm>> -> memref<128x16xf32, #tpu.memory_space<hbm>>
      tpu.wait_dma2 semaphore(%run_scoped3A_122 : memref<!tpu.dma_semaphore, #tpu.memory_space<semaphore_mem>>) src(%dma_wait3A_130 : memref<128x16xf32, #tpu.memory_space<hbm>>) dst(%arg10 : memref<128x16xf32, #tpu.memory_space<vmem>>)
      tpu.yield
    }) : () -> ()
    %mul3A_64 = arith.constant 640 : i32
    %mul3A_65 = arith.muli %arg1, %mul3A_64 : i32
    %add3A_66 = arith.constant 512 : i32
    %add3A_67 = arith.addi %mul3A_65, %add3A_66 : i32
    "tpu.region"() ({
      %run_scoped3A_122 = tpu.sem_alloc : memref<!tpu.dma_semaphore, #tpu.memory_space<semaphore_mem>>
      %dma_start3A_123 = arith.constant 0 : i32
      %dma_start3A_124 = tpu.memref_slice %arg6[%add3A_67, %dma_start3A_123] : memref<10240x16xf32, #tpu.memory_space<vmem_shared>> -> memref<128x16xf32, #tpu.memory_space<vmem_shared>>
      %dma_start3A_125 = arith.constant 0 : i32
      %dma_start3A_126 = tpu.memref_slice %arg6[%add3A_67, %dma_start3A_125] : memref<10240x16xf32, #tpu.memory_space<vmem_shared>> -> memref<128x16xf32, #tpu.memory_space<vmem_shared>>
      tpu.enqueue_dma source(%arg10 : memref<128x16xf32, #tpu.memory_space<vmem>>) target(%dma_start3A_126 : memref<128x16xf32, #tpu.memory_space<vmem_shared>>) target_semaphore(%run_scoped3A_122 : memref<!tpu.dma_semaphore, #tpu.memory_space<semaphore_mem>>)
      %dma_wait3A_127 = arith.constant 0 : i32
      %dma_wait3A_128 = tpu.memref_slice %arg6[%add3A_67, %dma_wait3A_127] : memref<10240x16xf32, #tpu.memory_space<vmem_shared>> -> memref<128x16xf32, #tpu.memory_space<vmem_shared>>
      %dma_wait3A_129 = arith.constant 0 : i32
      %dma_wait3A_130 = tpu.memref_slice %arg6[%add3A_67, %dma_wait3A_129] : memref<10240x16xf32, #tpu.memory_space<vmem_shared>> -> memref<128x16xf32, #tpu.memory_space<vmem_shared>>
      tpu.wait_dma2 semaphore(%run_scoped3A_122 : memref<!tpu.dma_semaphore, #tpu.memory_space<semaphore_mem>>) src(%arg10 : memref<128x16xf32, #tpu.memory_space<vmem>>) dst(%dma_wait3A_130 : memref<128x16xf32, #tpu.memory_space<vmem_shared>>)
      tpu.yield
    }) : () -> ()
    "tpu.region"() ({
      %run_scoped3A_122 = tpu.sem_alloc : memref<!tpu.dma_semaphore, #tpu.memory_space<semaphore_mem>>
      %dma_start3A_123 = arith.constant 0 : i32
      %dma_start3A_124 = arith.constant 0 : i32
      %dma_start3A_125 = tpu.memref_slice %arg4[%add3A, %dma_start3A_123, %dma_start3A_124] : memref<32x79x128xi32, #tpu.memory_space<hbm>> -> memref<1x79x128xi32, #tpu.memory_space<hbm>>
      %dma_start3A_126 = tpu.memref_squeeze %dma_start3A_125 : memref<1x79x128xi32, #tpu.memory_space<hbm>> -> memref<79x128xi32, #tpu.memory_space<hbm>>
      %dma_start3A_127 = arith.constant 0 : i32
      %dma_start3A_128 = arith.constant 0 : i32
      %dma_start3A_129 = tpu.memref_slice %arg4[%add3A, %dma_start3A_127, %dma_start3A_128] : memref<32x79x128xi32, #tpu.memory_space<hbm>> -> memref<1x79x128xi32, #tpu.memory_space<hbm>>
      %dma_start3A_130 = tpu.memref_squeeze %dma_start3A_129 : memref<1x79x128xi32, #tpu.memory_space<hbm>> -> memref<79x128xi32, #tpu.memory_space<hbm>>
      tpu.enqueue_dma source(%dma_start3A_130 : memref<79x128xi32, #tpu.memory_space<hbm>>) target(%arg8 : memref<79x128xi32, #tpu.memory_space<vmem>>) target_semaphore(%run_scoped3A_122 : memref<!tpu.dma_semaphore, #tpu.memory_space<semaphore_mem>>)
      %dma_wait3A_131 = arith.constant 0 : i32
      %dma_wait3A_132 = arith.constant 0 : i32
      %dma_wait3A_133 = tpu.memref_slice %arg4[%add3A, %dma_wait3A_131, %dma_wait3A_132] : memref<32x79x128xi32, #tpu.memory_space<hbm>> -> memref<1x79x128xi32, #tpu.memory_space<hbm>>
      %dma_wait3A_134 = tpu.memref_squeeze %dma_wait3A_133 : memref<1x79x128xi32, #tpu.memory_space<hbm>> -> memref<79x128xi32, #tpu.memory_space<hbm>>
      %dma_wait3A_135 = arith.constant 0 : i32
      %dma_wait3A_136 = arith.constant 0 : i32
      %dma_wait3A_137 = tpu.memref_slice %arg4[%add3A, %dma_wait3A_135, %dma_wait3A_136] : memref<32x79x128xi32, #tpu.memory_space<hbm>> -> memref<1x79x128xi32, #tpu.memory_space<hbm>>
      %dma_wait3A_138 = tpu.memref_squeeze %dma_wait3A_137 : memref<1x79x128xi32, #tpu.memory_space<hbm>> -> memref<79x128xi32, #tpu.memory_space<hbm>>
      tpu.wait_dma2 semaphore(%run_scoped3A_122 : memref<!tpu.dma_semaphore, #tpu.memory_space<semaphore_mem>>) src(%dma_wait3A_138 : memref<79x128xi32, #tpu.memory_space<hbm>>) dst(%arg8 : memref<79x128xi32, #tpu.memory_space<vmem>>)
      tpu.yield
    }) : () -> ()
    "tpu.region"() ({
      %run_scoped3A_122 = tpu.sem_alloc : memref<!tpu.dma_semaphore, #tpu.memory_space<semaphore_mem>>
      %dma_start3A_123 = arith.constant 0 : i32
      %dma_start3A_124 = arith.constant 0 : i32
      %dma_start3A_125 = tpu.memref_slice %arg3[%add3A, %dma_start3A_123, %dma_start3A_124] : memref<32x79x128xi32, #tpu.memory_space<hbm>> -> memref<1x79x128xi32, #tpu.memory_space<hbm>>
      %dma_start3A_126 = tpu.memref_squeeze %dma_start3A_125 : memref<1x79x128xi32, #tpu.memory_space<hbm>> -> memref<79x128xi32, #tpu.memory_space<hbm>>
      %dma_start3A_127 = arith.constant 0 : i32
      %dma_start3A_128 = arith.constant 0 : i32
      %dma_start3A_129 = tpu.memref_slice %arg3[%add3A, %dma_start3A_127, %dma_start3A_128] : memref<32x79x128xi32, #tpu.memory_space<hbm>> -> memref<1x79x128xi32, #tpu.memory_space<hbm>>
      %dma_start3A_130 = tpu.memref_squeeze %dma_start3A_129 : memref<1x79x128xi32, #tpu.memory_space<hbm>> -> memref<79x128xi32, #tpu.memory_space<hbm>>
      tpu.enqueue_dma source(%dma_start3A_130 : memref<79x128xi32, #tpu.memory_space<hbm>>) target(%arg9 : memref<79x128xi32, #tpu.memory_space<vmem>>) target_semaphore(%run_scoped3A_122 : memref<!tpu.dma_semaphore, #tpu.memory_space<semaphore_mem>>)
      %dma_wait3A_131 = arith.constant 0 : i32
      %dma_wait3A_132 = arith.constant 0 : i32
      %dma_wait3A_133 = tpu.memref_slice %arg3[%add3A, %dma_wait3A_131, %dma_wait3A_132] : memref<32x79x128xi32, #tpu.memory_space<hbm>> -> memref<1x79x128xi32, #tpu.memory_space<hbm>>
      %dma_wait3A_134 = tpu.memref_squeeze %dma_wait3A_133 : memref<1x79x128xi32, #tpu.memory_space<hbm>> -> memref<79x128xi32, #tpu.memory_space<hbm>>
      %dma_wait3A_135 = arith.constant 0 : i32
      %dma_wait3A_136 = arith.constant 0 : i32
      %dma_wait3A_137 = tpu.memref_slice %arg3[%add3A, %dma_wait3A_135, %dma_wait3A_136] : memref<32x79x128xi32, #tpu.memory_space<hbm>> -> memref<1x79x128xi32, #tpu.memory_space<hbm>>
      %dma_wait3A_138 = tpu.memref_squeeze %dma_wait3A_137 : memref<1x79x128xi32, #tpu.memory_space<hbm>> -> memref<79x128xi32, #tpu.memory_space<hbm>>
      tpu.wait_dma2 semaphore(%run_scoped3A_122 : memref<!tpu.dma_semaphore, #tpu.memory_space<semaphore_mem>>) src(%dma_wait3A_138 : memref<79x128xi32, #tpu.memory_space<hbm>>) dst(%arg9 : memref<79x128xi32, #tpu.memory_space<vmem>>)
      tpu.yield
    }) : () -> ()
    %barrier3A = arith.constant 0 : index
    tpu.barrier barrier_id(%barrier3A)
    %scan3A_68 = arith.constant 0 : i32
    %scan3A_69 = arith.constant 0 : i32
    %scan3A_70 = arith.constant 19 : i32
    %scan3A_71 = arith.addi %scan3A_69, %scan3A_70 : i32
    %scan3A_72 = arith.constant 1 : i32
    %scan3A_73 = scf.for %scan3A_122 = %scan3A_69 to %scan3A_71 step %scan3A_72 iter_args(%scan3A_123 = %scan3A_68) -> (i32)  : i32 {
      %mul3A_124 = arith.constant 4 : i32
      %mul3A_125 = arith.muli %scan3A_122, %mul3A_124 : i32
      %add3A_126 = arith.constant 0 : i32
      %add3A_127 = arith.addi %mul3A_125, %add3A_126 : i32
      %dma_start3A_128 = arith.constant 0 : i32
      %dma_start3A_129 = tpu.memref_slice %arg9[%add3A_127, %dma_start3A_128] : memref<79x128xi32, #tpu.memory_space<vmem>> -> memref<1x128xi32, #tpu.memory_space<vmem>>
      %dma_start3A_130 = tpu.memref_squeeze %dma_start3A_129 : memref<1x128xi32, #tpu.memory_space<vmem>> -> memref<128xi32, #tpu.memory_space<vmem>>
      %dma_start3A_131 = arith.constant 0 : i32
      %dma_start3A_132 = arith.constant 0 : i32
      %dma_start3A_133 = tpu.memref_slice %arg6[%dma_start3A_131, %dma_start3A_132] : memref<10240x16xf32, #tpu.memory_space<vmem_shared>> -> memref<10240x16xf32, #tpu.memory_space<vmem_shared>>
      tpu.enqueue_indirect_dma source(%dma_start3A_133 : memref<10240x16xf32, #tpu.memory_space<vmem_shared>>) target(%arg10 : memref<128x16xf32, #tpu.memory_space<vmem>>) offsets(%dma_start3A_130 : memref<128xi32, #tpu.memory_space<vmem>>) semaphore(%arg11 : memref<!tpu.dma_semaphore, #tpu.memory_space<semaphore_mem>>)
      %add3A_134 = arith.constant 1 : i32
      %add3A_135 = arith.addi %mul3A_125, %add3A_134 : i32
      %dma_start3A_136 = arith.constant 0 : i32
      %dma_start3A_137 = tpu.memref_slice %arg9[%add3A_135, %dma_start3A_136] : memref<79x128xi32, #tpu.memory_space<vmem>> -> memref<1x128xi32, #tpu.memory_space<vmem>>
      %dma_start3A_138 = tpu.memref_squeeze %dma_start3A_137 : memref<1x128xi32, #tpu.memory_space<vmem>> -> memref<128xi32, #tpu.memory_space<vmem>>
      %dma_start3A_139 = arith.constant 0 : i32
      %dma_start3A_140 = arith.constant 0 : i32
      %dma_start3A_141 = tpu.memref_slice %arg6[%dma_start3A_139, %dma_start3A_140] : memref<10240x16xf32, #tpu.memory_space<vmem_shared>> -> memref<10240x16xf32, #tpu.memory_space<vmem_shared>>
      tpu.enqueue_indirect_dma source(%dma_start3A_141 : memref<10240x16xf32, #tpu.memory_space<vmem_shared>>) target(%arg12 : memref<128x16xf32, #tpu.memory_space<vmem>>) offsets(%dma_start3A_138 : memref<128xi32, #tpu.memory_space<vmem>>) semaphore(%arg13 : memref<!tpu.dma_semaphore, #tpu.memory_space<semaphore_mem>>)
      %add3A_142 = arith.constant 2 : i32
      %add3A_143 = arith.addi %mul3A_125, %add3A_142 : i32
      %dma_start3A_144 = arith.constant 0 : i32
      %dma_start3A_145 = tpu.memref_slice %arg9[%add3A_143, %dma_start3A_144] : memref<79x128xi32, #tpu.memory_space<vmem>> -> memref<1x128xi32, #tpu.memory_space<vmem>>
      %dma_start3A_146 = tpu.memref_squeeze %dma_start3A_145 : memref<1x128xi32, #tpu.memory_space<vmem>> -> memref<128xi32, #tpu.memory_space<vmem>>
      %dma_start3A_147 = arith.constant 0 : i32
      %dma_start3A_148 = arith.constant 0 : i32
      %dma_start3A_149 = tpu.memref_slice %arg6[%dma_start3A_147, %dma_start3A_148] : memref<10240x16xf32, #tpu.memory_space<vmem_shared>> -> memref<10240x16xf32, #tpu.memory_space<vmem_shared>>
      tpu.enqueue_indirect_dma source(%dma_start3A_149 : memref<10240x16xf32, #tpu.memory_space<vmem_shared>>) target(%arg14 : memref<128x16xf32, #tpu.memory_space<vmem>>) offsets(%dma_start3A_146 : memref<128xi32, #tpu.memory_space<vmem>>) semaphore(%arg15 : memref<!tpu.dma_semaphore, #tpu.memory_space<semaphore_mem>>)
      %add3A_150 = arith.constant 3 : i32
      %add3A_151 = arith.addi %mul3A_125, %add3A_150 : i32
      %dma_start3A_152 = arith.constant 0 : i32
      %dma_start3A_153 = tpu.memref_slice %arg9[%add3A_151, %dma_start3A_152] : memref<79x128xi32, #tpu.memory_space<vmem>> -> memref<1x128xi32, #tpu.memory_space<vmem>>
      %dma_start3A_154 = tpu.memref_squeeze %dma_start3A_153 : memref<1x128xi32, #tpu.memory_space<vmem>> -> memref<128xi32, #tpu.memory_space<vmem>>
      %dma_start3A_155 = arith.constant 0 : i32
      %dma_start3A_156 = arith.constant 0 : i32
      %dma_start3A_157 = tpu.memref_slice %arg6[%dma_start3A_155, %dma_start3A_156] : memref<10240x16xf32, #tpu.memory_space<vmem_shared>> -> memref<10240x16xf32, #tpu.memory_space<vmem_shared>>
      tpu.enqueue_indirect_dma source(%dma_start3A_157 : memref<10240x16xf32, #tpu.memory_space<vmem_shared>>) target(%arg16 : memref<128x16xf32, #tpu.memory_space<vmem>>) offsets(%dma_start3A_154 : memref<128xi32, #tpu.memory_space<vmem>>) semaphore(%arg17 : memref<!tpu.dma_semaphore, #tpu.memory_space<semaphore_mem>>)
      %dma_wait3A_158 = arith.constant 0 : i32
      %dma_wait3A_159 = tpu.memref_slice %arg9[%add3A_127, %dma_wait3A_158] : memref<79x128xi32, #tpu.memory_space<vmem>> -> memref<1x128xi32, #tpu.memory_space<vmem>>
      %dma_wait3A_160 = tpu.memref_squeeze %dma_wait3A_159 : memref<1x128xi32, #tpu.memory_space<vmem>> -> memref<128xi32, #tpu.memory_space<vmem>>
      %dma_wait3A_161 = arith.constant 0 : i32
      %dma_wait3A_162 = arith.constant 0 : i32
      %dma_wait3A_163 = tpu.memref_slice %arg6[%dma_wait3A_161, %dma_wait3A_162] : memref<10240x16xf32, #tpu.memory_space<vmem_shared>> -> memref<10240x16xf32, #tpu.memory_space<vmem_shared>>
      tpu.wait_indirect_dma semaphore(%arg11 : memref<!tpu.dma_semaphore, #tpu.memory_space<semaphore_mem>>) src(%dma_wait3A_163 : memref<10240x16xf32, #tpu.memory_space<vmem_shared>>) dst(%arg10 : memref<128x16xf32, #tpu.memory_space<vmem>>)
      %add3A_164 = arith.constant 0 : i32
      %add3A_165 = arith.addi %mul3A_125, %add3A_164 : i32
      "tpu.region"() ({
        %run_scoped3A_191 = tpu.sem_alloc : memref<!tpu.dma_semaphore, #tpu.memory_space<semaphore_mem>>
        %dma_start3A_192 = arith.constant 0 : i32
        %dma_start3A_193 = tpu.memref_slice %arg8[%add3A_165, %dma_start3A_192] : memref<79x128xi32, #tpu.memory_space<vmem>> -> memref<1x128xi32, #tpu.memory_space<vmem>>
        %dma_start3A_194 = tpu.memref_squeeze %dma_start3A_193 : memref<1x128xi32, #tpu.memory_space<vmem>> -> memref<128xi32, #tpu.memory_space<vmem>>
        %dma_start3A_195 = arith.constant 0 : i32
        %dma_start3A_196 = arith.constant 0 : i32
        %dma_start3A_197 = tpu.memref_slice %arg7[%dma_start3A_195, %dma_start3A_196] : memref<10240x16xf32, #tpu.memory_space<vmem_shared>> -> memref<10240x16xf32, #tpu.memory_space<vmem_shared>>
        tpu.enqueue_indirect_dma source(%arg10 : memref<128x16xf32, #tpu.memory_space<vmem>>) target(%dma_start3A_197 : memref<10240x16xf32, #tpu.memory_space<vmem_shared>>) offsets(%dma_start3A_194 : memref<128xi32, #tpu.memory_space<vmem>>) semaphore(%run_scoped3A_191 : memref<!tpu.dma_semaphore, #tpu.memory_space<semaphore_mem>>) {add = true}
        %dma_wait3A_198 = arith.constant 0 : i32
        %dma_wait3A_199 = tpu.memref_slice %arg8[%add3A_165, %dma_wait3A_198] : memref<79x128xi32, #tpu.memory_space<vmem>> -> memref<1x128xi32, #tpu.memory_space<vmem>>
        %dma_wait3A_200 = tpu.memref_squeeze %dma_wait3A_199 : memref<1x128xi32, #tpu.memory_space<vmem>> -> memref<128xi32, #tpu.memory_space<vmem>>
        %dma_wait3A_201 = arith.constant 0 : i32
        %dma_wait3A_202 = arith.constant 0 : i32
        %dma_wait3A_203 = tpu.memref_slice %arg7[%dma_wait3A_201, %dma_wait3A_202] : memref<10240x16xf32, #tpu.memory_space<vmem_shared>> -> memref<10240x16xf32, #tpu.memory_space<vmem_shared>>
        tpu.wait_indirect_dma semaphore(%run_scoped3A_191 : memref<!tpu.dma_semaphore, #tpu.memory_space<semaphore_mem>>) src(%arg10 : memref<128x16xf32, #tpu.memory_space<vmem>>) dst(%dma_wait3A_203 : memref<10240x16xf32, #tpu.memory_space<vmem_shared>>)
        tpu.yield
      }) : () -> ()
      %dma_wait3A_166 = arith.constant 0 : i32
      %dma_wait3A_167 = tpu.memref_slice %arg9[%add3A_135, %dma_wait3A_166] : memref<79x128xi32, #tpu.memory_space<vmem>> -> memref<1x128xi32, #tpu.memory_space<vmem>>
      %dma_wait3A_168 = tpu.memref_squeeze %dma_wait3A_167 : memref<1x128xi32, #tpu.memory_space<vmem>> -> memref<128xi32, #tpu.memory_space<vmem>>
      %dma_wait3A_169 = arith.constant 0 : i32
      %dma_wait3A_170 = arith.constant 0 : i32
      %dma_wait3A_171 = tpu.memref_slice %arg6[%dma_wait3A_169, %dma_wait3A_170] : memref<10240x16xf32, #tpu.memory_space<vmem_shared>> -> memref<10240x16xf32, #tpu.memory_space<vmem_shared>>
      tpu.wait_indirect_dma semaphore(%arg13 : memref<!tpu.dma_semaphore, #tpu.memory_space<semaphore_mem>>) src(%dma_wait3A_171 : memref<10240x16xf32, #tpu.memory_space<vmem_shared>>) dst(%arg12 : memref<128x16xf32, #tpu.memory_space<vmem>>)
      %add3A_172 = arith.constant 1 : i32
      %add3A_173 = arith.addi %mul3A_125, %add3A_172 : i32
      "tpu.region"() ({
        %run_scoped3A_191 = tpu.sem_alloc : memref<!tpu.dma_semaphore, #tpu.memory_space<semaphore_mem>>
        %dma_start3A_192 = arith.constant 0 : i32
        %dma_start3A_193 = tpu.memref_slice %arg8[%add3A_173, %dma_start3A_192] : memref<79x128xi32, #tpu.memory_space<vmem>> -> memref<1x128xi32, #tpu.memory_space<vmem>>
        %dma_start3A_194 = tpu.memref_squeeze %dma_start3A_193 : memref<1x128xi32, #tpu.memory_space<vmem>> -> memref<128xi32, #tpu.memory_space<vmem>>
        %dma_start3A_195 = arith.constant 0 : i32
        %dma_start3A_196 = arith.constant 0 : i32
        %dma_start3A_197 = tpu.memref_slice %arg7[%dma_start3A_195, %dma_start3A_196] : memref<10240x16xf32, #tpu.memory_space<vmem_shared>> -> memref<10240x16xf32, #tpu.memory_space<vmem_shared>>
        tpu.enqueue_indirect_dma source(%arg12 : memref<128x16xf32, #tpu.memory_space<vmem>>) target(%dma_start3A_197 : memref<10240x16xf32, #tpu.memory_space<vmem_shared>>) offsets(%dma_start3A_194 : memref<128xi32, #tpu.memory_space<vmem>>) semaphore(%run_scoped3A_191 : memref<!tpu.dma_semaphore, #tpu.memory_space<semaphore_mem>>) {add = true}
        %dma_wait3A_198 = arith.constant 0 : i32
        %dma_wait3A_199 = tpu.memref_slice %arg8[%add3A_173, %dma_wait3A_198] : memref<79x128xi32, #tpu.memory_space<vmem>> -> memref<1x128xi32, #tpu.memory_space<vmem>>
        %dma_wait3A_200 = tpu.memref_squeeze %dma_wait3A_199 : memref<1x128xi32, #tpu.memory_space<vmem>> -> memref<128xi32, #tpu.memory_space<vmem>>
        %dma_wait3A_201 = arith.constant 0 : i32
        %dma_wait3A_202 = arith.constant 0 : i32
        %dma_wait3A_203 = tpu.memref_slice %arg7[%dma_wait3A_201, %dma_wait3A_202] : memref<10240x16xf32, #tpu.memory_space<vmem_shared>> -> memref<10240x16xf32, #tpu.memory_space<vmem_shared>>
        tpu.wait_indirect_dma semaphore(%run_scoped3A_191 : memref<!tpu.dma_semaphore, #tpu.memory_space<semaphore_mem>>) src(%arg12 : memref<128x16xf32, #tpu.memory_space<vmem>>) dst(%dma_wait3A_203 : memref<10240x16xf32, #tpu.memory_space<vmem_shared>>)
        tpu.yield
      }) : () -> ()
      %dma_wait3A_174 = arith.constant 0 : i32
      %dma_wait3A_175 = tpu.memref_slice %arg9[%add3A_143, %dma_wait3A_174] : memref<79x128xi32, #tpu.memory_space<vmem>> -> memref<1x128xi32, #tpu.memory_space<vmem>>
      %dma_wait3A_176 = tpu.memref_squeeze %dma_wait3A_175 : memref<1x128xi32, #tpu.memory_space<vmem>> -> memref<128xi32, #tpu.memory_space<vmem>>
      %dma_wait3A_177 = arith.constant 0 : i32
      %dma_wait3A_178 = arith.constant 0 : i32
      %dma_wait3A_179 = tpu.memref_slice %arg6[%dma_wait3A_177, %dma_wait3A_178] : memref<10240x16xf32, #tpu.memory_space<vmem_shared>> -> memref<10240x16xf32, #tpu.memory_space<vmem_shared>>
      tpu.wait_indirect_dma semaphore(%arg15 : memref<!tpu.dma_semaphore, #tpu.memory_space<semaphore_mem>>) src(%dma_wait3A_179 : memref<10240x16xf32, #tpu.memory_space<vmem_shared>>) dst(%arg14 : memref<128x16xf32, #tpu.memory_space<vmem>>)
      %add3A_180 = arith.constant 2 : i32
      %add3A_181 = arith.addi %mul3A_125, %add3A_180 : i32
      "tpu.region"() ({
        %run_scoped3A_191 = tpu.sem_alloc : memref<!tpu.dma_semaphore, #tpu.memory_space<semaphore_mem>>
        %dma_start3A_192 = arith.constant 0 : i32
        %dma_start3A_193 = tpu.memref_slice %arg8[%add3A_181, %dma_start3A_192] : memref<79x128xi32, #tpu.memory_space<vmem>> -> memref<1x128xi32, #tpu.memory_space<vmem>>
        %dma_start3A_194 = tpu.memref_squeeze %dma_start3A_193 : memref<1x128xi32, #tpu.memory_space<vmem>> -> memref<128xi32, #tpu.memory_space<vmem>>
        %dma_start3A_195 = arith.constant 0 : i32
        %dma_start3A_196 = arith.constant 0 : i32
        %dma_start3A_197 = tpu.memref_slice %arg7[%dma_start3A_195, %dma_start3A_196] : memref<10240x16xf32, #tpu.memory_space<vmem_shared>> -> memref<10240x16xf32, #tpu.memory_space<vmem_shared>>
        tpu.enqueue_indirect_dma source(%arg14 : memref<128x16xf32, #tpu.memory_space<vmem>>) target(%dma_start3A_197 : memref<10240x16xf32, #tpu.memory_space<vmem_shared>>) offsets(%dma_start3A_194 : memref<128xi32, #tpu.memory_space<vmem>>) semaphore(%run_scoped3A_191 : memref<!tpu.dma_semaphore, #tpu.memory_space<semaphore_mem>>) {add = true}
        %dma_wait3A_198 = arith.constant 0 : i32
        %dma_wait3A_199 = tpu.memref_slice %arg8[%add3A_181, %dma_wait3A_198] : memref<79x128xi32, #tpu.memory_space<vmem>> -> memref<1x128xi32, #tpu.memory_space<vmem>>
        %dma_wait3A_200 = tpu.memref_squeeze %dma_wait3A_199 : memref<1x128xi32, #tpu.memory_space<vmem>> -> memref<128xi32, #tpu.memory_space<vmem>>
        %dma_wait3A_201 = arith.constant 0 : i32
        %dma_wait3A_202 = arith.constant 0 : i32
        %dma_wait3A_203 = tpu.memref_slice %arg7[%dma_wait3A_201, %dma_wait3A_202] : memref<10240x16xf32, #tpu.memory_space<vmem_shared>> -> memref<10240x16xf32, #tpu.memory_space<vmem_shared>>
        tpu.wait_indirect_dma semaphore(%run_scoped3A_191 : memref<!tpu.dma_semaphore, #tpu.memory_space<semaphore_mem>>) src(%arg14 : memref<128x16xf32, #tpu.memory_space<vmem>>) dst(%dma_wait3A_203 : memref<10240x16xf32, #tpu.memory_space<vmem_shared>>)
        tpu.yield
      }) : () -> ()
      %dma_wait3A_182 = arith.constant 0 : i32
      %dma_wait3A_183 = tpu.memref_slice %arg9[%add3A_151, %dma_wait3A_182] : memref<79x128xi32, #tpu.memory_space<vmem>> -> memref<1x128xi32, #tpu.memory_space<vmem>>
      %dma_wait3A_184 = tpu.memref_squeeze %dma_wait3A_183 : memref<1x128xi32, #tpu.memory_space<vmem>> -> memref<128xi32, #tpu.memory_space<vmem>>
      %dma_wait3A_185 = arith.constant 0 : i32
      %dma_wait3A_186 = arith.constant 0 : i32
      %dma_wait3A_187 = tpu.memref_slice %arg6[%dma_wait3A_185, %dma_wait3A_186] : memref<10240x16xf32, #tpu.memory_space<vmem_shared>> -> memref<10240x16xf32, #tpu.memory_space<vmem_shared>>
      tpu.wait_indirect_dma semaphore(%arg17 : memref<!tpu.dma_semaphore, #tpu.memory_space<semaphore_mem>>) src(%dma_wait3A_187 : memref<10240x16xf32, #tpu.memory_space<vmem_shared>>) dst(%arg16 : memref<128x16xf32, #tpu.memory_space<vmem>>)
      %add3A_188 = arith.constant 3 : i32
      %add3A_189 = arith.addi %mul3A_125, %add3A_188 : i32
      "tpu.region"() ({
        %run_scoped3A_191 = tpu.sem_alloc : memref<!tpu.dma_semaphore, #tpu.memory_space<semaphore_mem>>
        %dma_start3A_192 = arith.constant 0 : i32
        %dma_start3A_193 = tpu.memref_slice %arg8[%add3A_189, %dma_start3A_192] : memref<79x128xi32, #tpu.memory_space<vmem>> -> memref<1x128xi32, #tpu.memory_space<vmem>>
        %dma_start3A_194 = tpu.memref_squeeze %dma_start3A_193 : memref<1x128xi32, #tpu.memory_space<vmem>> -> memref<128xi32, #tpu.memory_space<vmem>>
        %dma_start3A_195 = arith.constant 0 : i32
        %dma_start3A_196 = arith.constant 0 : i32
        %dma_start3A_197 = tpu.memref_slice %arg7[%dma_start3A_195, %dma_start3A_196] : memref<10240x16xf32, #tpu.memory_space<vmem_shared>> -> memref<10240x16xf32, #tpu.memory_space<vmem_shared>>
        tpu.enqueue_indirect_dma source(%arg16 : memref<128x16xf32, #tpu.memory_space<vmem>>) target(%dma_start3A_197 : memref<10240x16xf32, #tpu.memory_space<vmem_shared>>) offsets(%dma_start3A_194 : memref<128xi32, #tpu.memory_space<vmem>>) semaphore(%run_scoped3A_191 : memref<!tpu.dma_semaphore, #tpu.memory_space<semaphore_mem>>) {add = true}
        %dma_wait3A_198 = arith.constant 0 : i32
        %dma_wait3A_199 = tpu.memref_slice %arg8[%add3A_189, %dma_wait3A_198] : memref<79x128xi32, #tpu.memory_space<vmem>> -> memref<1x128xi32, #tpu.memory_space<vmem>>
        %dma_wait3A_200 = tpu.memref_squeeze %dma_wait3A_199 : memref<1x128xi32, #tpu.memory_space<vmem>> -> memref<128xi32, #tpu.memory_space<vmem>>
        %dma_wait3A_201 = arith.constant 0 : i32
        %dma_wait3A_202 = arith.constant 0 : i32
        %dma_wait3A_203 = tpu.memref_slice %arg7[%dma_wait3A_201, %dma_wait3A_202] : memref<10240x16xf32, #tpu.memory_space<vmem_shared>> -> memref<10240x16xf32, #tpu.memory_space<vmem_shared>>
        tpu.wait_indirect_dma semaphore(%run_scoped3A_191 : memref<!tpu.dma_semaphore, #tpu.memory_space<semaphore_mem>>) src(%arg16 : memref<128x16xf32, #tpu.memory_space<vmem>>) dst(%dma_wait3A_203 : memref<10240x16xf32, #tpu.memory_space<vmem_shared>>)
        tpu.yield
      }) : () -> ()
      %scan3A_190 = arith.constant 0 : i32
      scf.yield %scan3A_190 : i32
    }
    %scan3A_74 = arith.constant 19 : i32
    %dma_start3A = arith.constant 76 : i32
    %dma_start3A_75 = arith.constant 0 : i32
    %dma_start3A_76 = tpu.memref_slice %arg9[%dma_start3A, %dma_start3A_75] : memref<79x128xi32, #tpu.memory_space<vmem>> -> memref<1x128xi32, #tpu.memory_space<vmem>>
    %dma_start3A_77 = tpu.memref_squeeze %dma_start3A_76 : memref<1x128xi32, #tpu.memory_space<vmem>> -> memref<128xi32, #tpu.memory_space<vmem>>
    %dma_start3A_78 = arith.constant 0 : i32
    %dma_start3A_79 = arith.constant 0 : i32
    %dma_start3A_80 = tpu.memref_slice %arg6[%dma_start3A_78, %dma_start3A_79] : memref<10240x16xf32, #tpu.memory_space<vmem_shared>> -> memref<10240x16xf32, #tpu.memory_space<vmem_shared>>
    tpu.enqueue_indirect_dma source(%dma_start3A_80 : memref<10240x16xf32, #tpu.memory_space<vmem_shared>>) target(%arg10 : memref<128x16xf32, #tpu.memory_space<vmem>>) offsets(%dma_start3A_77 : memref<128xi32, #tpu.memory_space<vmem>>) semaphore(%arg11 : memref<!tpu.dma_semaphore, #tpu.memory_space<semaphore_mem>>)
    %dma_wait3A = arith.constant 76 : i32
    %dma_wait3A_81 = arith.constant 0 : i32
    %dma_wait3A_82 = tpu.memref_slice %arg9[%dma_wait3A, %dma_wait3A_81] : memref<79x128xi32, #tpu.memory_space<vmem>> -> memref<1x128xi32, #tpu.memory_space<vmem>>
    %dma_wait3A_83 = tpu.memref_squeeze %dma_wait3A_82 : memref<1x128xi32, #tpu.memory_space<vmem>> -> memref<128xi32, #tpu.memory_space<vmem>>
    %dma_wait3A_84 = arith.constant 0 : i32
    %dma_wait3A_85 = arith.constant 0 : i32
    %dma_wait3A_86 = tpu.memref_slice %arg6[%dma_wait3A_84, %dma_wait3A_85] : memref<10240x16xf32, #tpu.memory_space<vmem_shared>> -> memref<10240x16xf32, #tpu.memory_space<vmem_shared>>
    tpu.wait_indirect_dma semaphore(%arg11 : memref<!tpu.dma_semaphore, #tpu.memory_space<semaphore_mem>>) src(%dma_wait3A_86 : memref<10240x16xf32, #tpu.memory_space<vmem_shared>>) dst(%arg10 : memref<128x16xf32, #tpu.memory_space<vmem>>)
    %run_scoped3A = arith.constant 76 : i32
    "tpu.region"() ({
      %run_scoped3A_122 = tpu.sem_alloc : memref<!tpu.dma_semaphore, #tpu.memory_space<semaphore_mem>>
      %dma_start3A_123 = arith.constant 0 : i32
      %dma_start3A_124 = tpu.memref_slice %arg8[%run_scoped3A, %dma_start3A_123] : memref<79x128xi32, #tpu.memory_space<vmem>> -> memref<1x128xi32, #tpu.memory_space<vmem>>
      %dma_start3A_125 = tpu.memref_squeeze %dma_start3A_124 : memref<1x128xi32, #tpu.memory_space<vmem>> -> memref<128xi32, #tpu.memory_space<vmem>>
      %dma_start3A_126 = arith.constant 0 : i32
      %dma_start3A_127 = arith.constant 0 : i32
      %dma_start3A_128 = tpu.memref_slice %arg7[%dma_start3A_126, %dma_start3A_127] : memref<10240x16xf32, #tpu.memory_space<vmem_shared>> -> memref<10240x16xf32, #tpu.memory_space<vmem_shared>>
      tpu.enqueue_indirect_dma source(%arg10 : memref<128x16xf32, #tpu.memory_space<vmem>>) target(%dma_start3A_128 : memref<10240x16xf32, #tpu.memory_space<vmem_shared>>) offsets(%dma_start3A_125 : memref<128xi32, #tpu.memory_space<vmem>>) semaphore(%run_scoped3A_122 : memref<!tpu.dma_semaphore, #tpu.memory_space<semaphore_mem>>) {add = true}
      %dma_wait3A_129 = arith.constant 0 : i32
      %dma_wait3A_130 = tpu.memref_slice %arg8[%run_scoped3A, %dma_wait3A_129] : memref<79x128xi32, #tpu.memory_space<vmem>> -> memref<1x128xi32, #tpu.memory_space<vmem>>
      %dma_wait3A_131 = tpu.memref_squeeze %dma_wait3A_130 : memref<1x128xi32, #tpu.memory_space<vmem>> -> memref<128xi32, #tpu.memory_space<vmem>>
      %dma_wait3A_132 = arith.constant 0 : i32
      %dma_wait3A_133 = arith.constant 0 : i32
      %dma_wait3A_134 = tpu.memref_slice %arg7[%dma_wait3A_132, %dma_wait3A_133] : memref<10240x16xf32, #tpu.memory_space<vmem_shared>> -> memref<10240x16xf32, #tpu.memory_space<vmem_shared>>
      tpu.wait_indirect_dma semaphore(%run_scoped3A_122 : memref<!tpu.dma_semaphore, #tpu.memory_space<semaphore_mem>>) src(%arg10 : memref<128x16xf32, #tpu.memory_space<vmem>>) dst(%dma_wait3A_134 : memref<10240x16xf32, #tpu.memory_space<vmem_shared>>)
      tpu.yield
    }) : () -> ()
    %dma_start3A_87 = arith.constant 77 : i32
    %dma_start3A_88 = arith.constant 0 : i32
    %dma_start3A_89 = tpu.memref_slice %arg9[%dma_start3A_87, %dma_start3A_88] : memref<79x128xi32, #tpu.memory_space<vmem>> -> memref<1x128xi32, #tpu.memory_space<vmem>>
    %dma_start3A_90 = tpu.memref_squeeze %dma_start3A_89 : memref<1x128xi32, #tpu.memory_space<vmem>> -> memref<128xi32, #tpu.memory_space<vmem>>
    %dma_start3A_91 = arith.constant 0 : i32
    %dma_start3A_92 = arith.constant 0 : i32
    %dma_start3A_93 = tpu.memref_slice %arg6[%dma_start3A_91, %dma_start3A_92] : memref<10240x16xf32, #tpu.memory_space<vmem_shared>> -> memref<10240x16xf32, #tpu.memory_space<vmem_shared>>
    tpu.enqueue_indirect_dma source(%dma_start3A_93 : memref<10240x16xf32, #tpu.memory_space<vmem_shared>>) target(%arg10 : memref<128x16xf32, #tpu.memory_space<vmem>>) offsets(%dma_start3A_90 : memref<128xi32, #tpu.memory_space<vmem>>) semaphore(%arg11 : memref<!tpu.dma_semaphore, #tpu.memory_space<semaphore_mem>>)
    %dma_wait3A_94 = arith.constant 77 : i32
    %dma_wait3A_95 = arith.constant 0 : i32
    %dma_wait3A_96 = tpu.memref_slice %arg9[%dma_wait3A_94, %dma_wait3A_95] : memref<79x128xi32, #tpu.memory_space<vmem>> -> memref<1x128xi32, #tpu.memory_space<vmem>>
    %dma_wait3A_97 = tpu.memref_squeeze %dma_wait3A_96 : memref<1x128xi32, #tpu.memory_space<vmem>> -> memref<128xi32, #tpu.memory_space<vmem>>
    %dma_wait3A_98 = arith.constant 0 : i32
    %dma_wait3A_99 = arith.constant 0 : i32
    %dma_wait3A_100 = tpu.memref_slice %arg6[%dma_wait3A_98, %dma_wait3A_99] : memref<10240x16xf32, #tpu.memory_space<vmem_shared>> -> memref<10240x16xf32, #tpu.memory_space<vmem_shared>>
    tpu.wait_indirect_dma semaphore(%arg11 : memref<!tpu.dma_semaphore, #tpu.memory_space<semaphore_mem>>) src(%dma_wait3A_100 : memref<10240x16xf32, #tpu.memory_space<vmem_shared>>) dst(%arg10 : memref<128x16xf32, #tpu.memory_space<vmem>>)
    %run_scoped3A_101 = arith.constant 77 : i32
    "tpu.region"() ({
      %run_scoped3A_122 = tpu.sem_alloc : memref<!tpu.dma_semaphore, #tpu.memory_space<semaphore_mem>>
      %dma_start3A_123 = arith.constant 0 : i32
      %dma_start3A_124 = tpu.memref_slice %arg8[%run_scoped3A_101, %dma_start3A_123] : memref<79x128xi32, #tpu.memory_space<vmem>> -> memref<1x128xi32, #tpu.memory_space<vmem>>
      %dma_start3A_125 = tpu.memref_squeeze %dma_start3A_124 : memref<1x128xi32, #tpu.memory_space<vmem>> -> memref<128xi32, #tpu.memory_space<vmem>>
      %dma_start3A_126 = arith.constant 0 : i32
      %dma_start3A_127 = arith.constant 0 : i32
      %dma_start3A_128 = tpu.memref_slice %arg7[%dma_start3A_126, %dma_start3A_127] : memref<10240x16xf32, #tpu.memory_space<vmem_shared>> -> memref<10240x16xf32, #tpu.memory_space<vmem_shared>>
      tpu.enqueue_indirect_dma source(%arg10 : memref<128x16xf32, #tpu.memory_space<vmem>>) target(%dma_start3A_128 : memref<10240x16xf32, #tpu.memory_space<vmem_shared>>) offsets(%dma_start3A_125 : memref<128xi32, #tpu.memory_space<vmem>>) semaphore(%run_scoped3A_122 : memref<!tpu.dma_semaphore, #tpu.memory_space<semaphore_mem>>) {add = true}
      %dma_wait3A_129 = arith.constant 0 : i32
      %dma_wait3A_130 = tpu.memref_slice %arg8[%run_scoped3A_101, %dma_wait3A_129] : memref<79x128xi32, #tpu.memory_space<vmem>> -> memref<1x128xi32, #tpu.memory_space<vmem>>
      %dma_wait3A_131 = tpu.memref_squeeze %dma_wait3A_130 : memref<1x128xi32, #tpu.memory_space<vmem>> -> memref<128xi32, #tpu.memory_space<vmem>>
      %dma_wait3A_132 = arith.constant 0 : i32
      %dma_wait3A_133 = arith.constant 0 : i32
      %dma_wait3A_134 = tpu.memref_slice %arg7[%dma_wait3A_132, %dma_wait3A_133] : memref<10240x16xf32, #tpu.memory_space<vmem_shared>> -> memref<10240x16xf32, #tpu.memory_space<vmem_shared>>
      tpu.wait_indirect_dma semaphore(%run_scoped3A_122 : memref<!tpu.dma_semaphore, #tpu.memory_space<semaphore_mem>>) src(%arg10 : memref<128x16xf32, #tpu.memory_space<vmem>>) dst(%dma_wait3A_134 : memref<10240x16xf32, #tpu.memory_space<vmem_shared>>)
      tpu.yield
    }) : () -> ()
    %dma_start3A_102 = arith.constant 78 : i32
    %dma_start3A_103 = arith.constant 0 : i32
    %dma_start3A_104 = tpu.memref_slice %arg9[%dma_start3A_102, %dma_start3A_103] : memref<79x128xi32, #tpu.memory_space<vmem>> -> memref<1x128xi32, #tpu.memory_space<vmem>>
    %dma_start3A_105 = tpu.memref_squeeze %dma_start3A_104 : memref<1x128xi32, #tpu.memory_space<vmem>> -> memref<128xi32, #tpu.memory_space<vmem>>
    %dma_start3A_106 = arith.constant 0 : i32
    %dma_start3A_107 = arith.constant 0 : i32
    %dma_start3A_108 = tpu.memref_slice %arg6[%dma_start3A_106, %dma_start3A_107] : memref<10240x16xf32, #tpu.memory_space<vmem_shared>> -> memref<10240x16xf32, #tpu.memory_space<vmem_shared>>
    tpu.enqueue_indirect_dma source(%dma_start3A_108 : memref<10240x16xf32, #tpu.memory_space<vmem_shared>>) target(%arg10 : memref<128x16xf32, #tpu.memory_space<vmem>>) offsets(%dma_start3A_105 : memref<128xi32, #tpu.memory_space<vmem>>) semaphore(%arg11 : memref<!tpu.dma_semaphore, #tpu.memory_space<semaphore_mem>>)
    %dma_wait3A_109 = arith.constant 78 : i32
    %dma_wait3A_110 = arith.constant 0 : i32
    %dma_wait3A_111 = tpu.memref_slice %arg9[%dma_wait3A_109, %dma_wait3A_110] : memref<79x128xi32, #tpu.memory_space<vmem>> -> memref<1x128xi32, #tpu.memory_space<vmem>>
    %dma_wait3A_112 = tpu.memref_squeeze %dma_wait3A_111 : memref<1x128xi32, #tpu.memory_space<vmem>> -> memref<128xi32, #tpu.memory_space<vmem>>
    %dma_wait3A_113 = arith.constant 0 : i32
    %dma_wait3A_114 = arith.constant 0 : i32
    %dma_wait3A_115 = tpu.memref_slice %arg6[%dma_wait3A_113, %dma_wait3A_114] : memref<10240x16xf32, #tpu.memory_space<vmem_shared>> -> memref<10240x16xf32, #tpu.memory_space<vmem_shared>>
    tpu.wait_indirect_dma semaphore(%arg11 : memref<!tpu.dma_semaphore, #tpu.memory_space<semaphore_mem>>) src(%dma_wait3A_115 : memref<10240x16xf32, #tpu.memory_space<vmem_shared>>) dst(%arg10 : memref<128x16xf32, #tpu.memory_space<vmem>>)
    %run_scoped3A_116 = arith.constant 78 : i32
    "tpu.region"() ({
      %run_scoped3A_122 = tpu.sem_alloc : memref<!tpu.dma_semaphore, #tpu.memory_space<semaphore_mem>>
      %dma_start3A_123 = arith.constant 0 : i32
      %dma_start3A_124 = tpu.memref_slice %arg8[%run_scoped3A_116, %dma_start3A_123] : memref<79x128xi32, #tpu.memory_space<vmem>> -> memref<1x128xi32, #tpu.memory_space<vmem>>
      %dma_start3A_125 = tpu.memref_squeeze %dma_start3A_124 : memref<1x128xi32, #tpu.memory_space<vmem>> -> memref<128xi32, #tpu.memory_space<vmem>>
      %dma_start3A_126 = arith.constant 0 : i32
      %dma_start3A_127 = arith.constant 0 : i32
      %dma_start3A_128 = tpu.memref_slice %arg7[%dma_start3A_126, %dma_start3A_127] : memref<10240x16xf32, #tpu.memory_space<vmem_shared>> -> memref<10240x16xf32, #tpu.memory_space<vmem_shared>>
      tpu.enqueue_indirect_dma source(%arg10 : memref<128x16xf32, #tpu.memory_space<vmem>>) target(%dma_start3A_128 : memref<10240x16xf32, #tpu.memory_space<vmem_shared>>) offsets(%dma_start3A_125 : memref<128xi32, #tpu.memory_space<vmem>>) semaphore(%run_scoped3A_122 : memref<!tpu.dma_semaphore, #tpu.memory_space<semaphore_mem>>) {add = true}
      %dma_wait3A_129 = arith.constant 0 : i32
      %dma_wait3A_130 = tpu.memref_slice %arg8[%run_scoped3A_116, %dma_wait3A_129] : memref<79x128xi32, #tpu.memory_space<vmem>> -> memref<1x128xi32, #tpu.memory_space<vmem>>
      %dma_wait3A_131 = tpu.memref_squeeze %dma_wait3A_130 : memref<1x128xi32, #tpu.memory_space<vmem>> -> memref<128xi32, #tpu.memory_space<vmem>>
      %dma_wait3A_132 = arith.constant 0 : i32
      %dma_wait3A_133 = arith.constant 0 : i32
      %dma_wait3A_134 = tpu.memref_slice %arg7[%dma_wait3A_132, %dma_wait3A_133] : memref<10240x16xf32, #tpu.memory_space<vmem_shared>> -> memref<10240x16xf32, #tpu.memory_space<vmem_shared>>
      tpu.wait_indirect_dma semaphore(%run_scoped3A_122 : memref<!tpu.dma_semaphore, #tpu.memory_space<semaphore_mem>>) src(%arg10 : memref<128x16xf32, #tpu.memory_space<vmem>>) dst(%dma_wait3A_134 : memref<10240x16xf32, #tpu.memory_space<vmem_shared>>)
      tpu.yield
    }) : () -> ()
    %barrier3A_117 = arith.constant 0 : index
    tpu.barrier barrier_id(%barrier3A_117)
    %mul3A_118 = arith.constant 640 : i32
    %mul3A_119 = arith.muli %arg1, %mul3A_118 : i32
    %mul3A_120 = arith.constant 640 : i32
    %mul3A_121 = arith.muli %arg1, %mul3A_120 : i32
    "tpu.region"() ({
      %run_scoped3A_122 = tpu.sem_alloc : memref<!tpu.dma_semaphore, #tpu.memory_space<semaphore_mem>>
      %dma_start3A_123 = arith.constant 0 : i32
      %dma_start3A_124 = tpu.memref_slice %arg5[%arg0, %mul3A_121, %dma_start3A_123] : memref<2x10240x16xf32, #tpu.memory_space<hbm>> -> memref<1x640x16xf32, #tpu.memory_space<hbm>>
      %dma_start3A_125 = tpu.memref_squeeze %dma_start3A_124 : memref<1x640x16xf32, #tpu.memory_space<hbm>> -> memref<640x16xf32, #tpu.memory_space<hbm>>
      %dma_start3A_126 = arith.constant 0 : i32
      %dma_start3A_127 = tpu.memref_slice %arg7[%mul3A_119, %dma_start3A_126] : memref<10240x16xf32, #tpu.memory_space<vmem_shared>> -> memref<640x16xf32, #tpu.memory_space<vmem_shared>>
      tpu.enqueue_dma source(%dma_start3A_127 : memref<640x16xf32, #tpu.memory_space<vmem_shared>>) target(%dma_start3A_125 : memref<640x16xf32, #tpu.memory_space<hbm>>) target_semaphore(%run_scoped3A_122 : memref<!tpu.dma_semaphore, #tpu.memory_space<semaphore_mem>>)
      %dma_wait3A_128 = arith.constant 0 : i32
      %dma_wait3A_129 = tpu.memref_slice %arg5[%arg0, %mul3A_121, %dma_wait3A_128] : memref<2x10240x16xf32, #tpu.memory_space<hbm>> -> memref<1x640x16xf32, #tpu.memory_space<hbm>>
      %dma_wait3A_130 = tpu.memref_squeeze %dma_wait3A_129 : memref<1x640x16xf32, #tpu.memory_space<hbm>> -> memref<640x16xf32, #tpu.memory_space<hbm>>
      %dma_wait3A_131 = arith.constant 0 : i32
      %dma_wait3A_132 = tpu.memref_slice %arg7[%mul3A_119, %dma_wait3A_131] : memref<10240x16xf32, #tpu.memory_space<vmem_shared>> -> memref<640x16xf32, #tpu.memory_space<vmem_shared>>
      tpu.wait_dma2 semaphore(%run_scoped3A_122 : memref<!tpu.dma_semaphore, #tpu.memory_space<semaphore_mem>>) src(%dma_wait3A_132 : memref<640x16xf32, #tpu.memory_space<vmem_shared>>) dst(%dma_wait3A_130 : memref<640x16xf32, #tpu.memory_space<hbm>>)
      tpu.yield
    }) : () -> ()
    return
  }
}

#map = affine_map<(d0, d1) -> (0, 0)>
#map1 = affine_map<(d0, d1) -> (0, 0, 0)>
module attributes {stable_mosaic.version = 14 : i64} {
  func.func @body(%arg0: i32, %arg1: i32, %arg2: memref<10000x128xf32, #tpu.memory_space<hbm>>, %arg3: memref<32x79x128xi32, #tpu.memory_space<hbm>>, %arg4: memref<32x79x128xi32, #tpu.memory_space<hbm>>, %arg5: memref<2x10240x128xf32, #tpu.memory_space<hbm>>, %arg6: memref<10240x128xf32, #tpu.memory_space<vmem_shared>>, %arg7: memref<79x128xi32, #tpu.memory_space<vmem>>, %arg8: memref<79x128xi32, #tpu.memory_space<vmem>>, %arg9: memref<128x128xf32, #tpu.memory_space<vmem>>, %arg10: memref<!tpu.dma_semaphore, #tpu.memory_space<semaphore_mem>>) attributes {dimension_semantics = [#tpu.dimension_semantics<core_parallel>, #tpu.dimension_semantics<subcore_parallel>], iteration_bounds = array<i64: 2, 16>, scalar_prefetch = 0 : i64, scratch_operands = 5 : i64, tpu.core_type = #tpu.core_type<sc_vector_subcore>, window_params = [{transform_indices = #map}, {transform_indices = #map1}, {transform_indices = #map1}, {transform_indices = #map1}]} {
    %mul3A = arith.constant 2 : i32
    %mul3A_0 = arith.muli %arg1, %mul3A : i32
    %add3A = arith.addi %mul3A_0, %arg0 : i32
    %broadcast_in_dim3A = arith.constant 0.000000e+00 : f32
    %broadcast_in_dim3A_1 = vector.broadcast %broadcast_in_dim3A : f32 to vector<16xf32>
    %scan3A = arith.constant 0 : i32
    %scan3A_2 = arith.constant 0 : i32
    %scan3A_3 = arith.constant 128 : i32
    %scan3A_4 = arith.addi %scan3A_2, %scan3A_3 : i32
    %scan3A_5 = arith.constant 1 : i32
    %scan3A_6 = scf.for %scan3A_40 = %scan3A_2 to %scan3A_4 step %scan3A_5 iter_args(%scan3A_41 = %scan3A) -> (i32)  : i32 {
      %swap3A = arith.index_cast %scan3A_40 : i32 to index
      %swap3A_42 = arith.constant 0 : index
      %swap3A_43 = tpu.vector_load %arg9[%swap3A, %swap3A_42] {strides = array<i32>} : memref<128x128xf32, #tpu.memory_space<vmem>>, vector<1x16xf32>,
      %swap3A_44 = vector.shape_cast %swap3A_43 : vector<1x16xf32> to vector<16xf32>
      %swap3A_45 = vector.shape_cast %broadcast_in_dim3A_1 : vector<16xf32> to vector<1x16xf32>
      tpu.vector_store %arg9[%swap3A, %swap3A_42], %swap3A_45 {strides = array<i32>} : memref<128x128xf32, #tpu.memory_space<vmem>>, vector<1x16xf32>,
      %swap3A_46 = arith.index_cast %scan3A_40 : i32 to index
      %swap3A_47 = arith.constant 16 : index
      %swap3A_48 = tpu.vector_load %arg9[%swap3A_46, %swap3A_47] {strides = array<i32>} : memref<128x128xf32, #tpu.memory_space<vmem>>, vector<1x16xf32>,
      %swap3A_49 = vector.shape_cast %swap3A_48 : vector<1x16xf32> to vector<16xf32>
      %swap3A_50 = vector.shape_cast %broadcast_in_dim3A_1 : vector<16xf32> to vector<1x16xf32>
      tpu.vector_store %arg9[%swap3A_46, %swap3A_47], %swap3A_50 {strides = array<i32>} : memref<128x128xf32, #tpu.memory_space<vmem>>, vector<1x16xf32>,
      %swap3A_51 = arith.index_cast %scan3A_40 : i32 to index
      %swap3A_52 = arith.constant 32 : index
      %swap3A_53 = tpu.vector_load %arg9[%swap3A_51, %swap3A_52] {strides = array<i32>} : memref<128x128xf32, #tpu.memory_space<vmem>>, vector<1x16xf32>,
      %swap3A_54 = vector.shape_cast %swap3A_53 : vector<1x16xf32> to vector<16xf32>
      %swap3A_55 = vector.shape_cast %broadcast_in_dim3A_1 : vector<16xf32> to vector<1x16xf32>
      tpu.vector_store %arg9[%swap3A_51, %swap3A_52], %swap3A_55 {strides = array<i32>} : memref<128x128xf32, #tpu.memory_space<vmem>>, vector<1x16xf32>,
      %swap3A_56 = arith.index_cast %scan3A_40 : i32 to index
      %swap3A_57 = arith.constant 48 : index
      %swap3A_58 = tpu.vector_load %arg9[%swap3A_56, %swap3A_57] {strides = array<i32>} : memref<128x128xf32, #tpu.memory_space<vmem>>, vector<1x16xf32>,
      %swap3A_59 = vector.shape_cast %swap3A_58 : vector<1x16xf32> to vector<16xf32>
      %swap3A_60 = vector.shape_cast %broadcast_in_dim3A_1 : vector<16xf32> to vector<1x16xf32>
      tpu.vector_store %arg9[%swap3A_56, %swap3A_57], %swap3A_60 {strides = array<i32>} : memref<128x128xf32, #tpu.memory_space<vmem>>, vector<1x16xf32>,
      %swap3A_61 = arith.index_cast %scan3A_40 : i32 to index
      %swap3A_62 = arith.constant 64 : index
      %swap3A_63 = tpu.vector_load %arg9[%swap3A_61, %swap3A_62] {strides = array<i32>} : memref<128x128xf32, #tpu.memory_space<vmem>>, vector<1x16xf32>,
      %swap3A_64 = vector.shape_cast %swap3A_63 : vector<1x16xf32> to vector<16xf32>
      %swap3A_65 = vector.shape_cast %broadcast_in_dim3A_1 : vector<16xf32> to vector<1x16xf32>
      tpu.vector_store %arg9[%swap3A_61, %swap3A_62], %swap3A_65 {strides = array<i32>} : memref<128x128xf32, #tpu.memory_space<vmem>>, vector<1x16xf32>,
      %swap3A_66 = arith.index_cast %scan3A_40 : i32 to index
      %swap3A_67 = arith.constant 80 : index
      %swap3A_68 = tpu.vector_load %arg9[%swap3A_66, %swap3A_67] {strides = array<i32>} : memref<128x128xf32, #tpu.memory_space<vmem>>, vector<1x16xf32>,
      %swap3A_69 = vector.shape_cast %swap3A_68 : vector<1x16xf32> to vector<16xf32>
      %swap3A_70 = vector.shape_cast %broadcast_in_dim3A_1 : vector<16xf32> to vector<1x16xf32>
      tpu.vector_store %arg9[%swap3A_66, %swap3A_67], %swap3A_70 {strides = array<i32>} : memref<128x128xf32, #tpu.memory_space<vmem>>, vector<1x16xf32>,
      %swap3A_71 = arith.index_cast %scan3A_40 : i32 to index
      %swap3A_72 = arith.constant 96 : index
      %swap3A_73 = tpu.vector_load %arg9[%swap3A_71, %swap3A_72] {strides = array<i32>} : memref<128x128xf32, #tpu.memory_space<vmem>>, vector<1x16xf32>,
      %swap3A_74 = vector.shape_cast %swap3A_73 : vector<1x16xf32> to vector<16xf32>
      %swap3A_75 = vector.shape_cast %broadcast_in_dim3A_1 : vector<16xf32> to vector<1x16xf32>
      tpu.vector_store %arg9[%swap3A_71, %swap3A_72], %swap3A_75 {strides = array<i32>} : memref<128x128xf32, #tpu.memory_space<vmem>>, vector<1x16xf32>,
      %swap3A_76 = arith.index_cast %scan3A_40 : i32 to index
      %swap3A_77 = arith.constant 112 : index
      %swap3A_78 = tpu.vector_load %arg9[%swap3A_76, %swap3A_77] {strides = array<i32>} : memref<128x128xf32, #tpu.memory_space<vmem>>, vector<1x16xf32>,
      %swap3A_79 = vector.shape_cast %swap3A_78 : vector<1x16xf32> to vector<16xf32>
      %swap3A_80 = vector.shape_cast %broadcast_in_dim3A_1 : vector<16xf32> to vector<1x16xf32>
      tpu.vector_store %arg9[%swap3A_76, %swap3A_77], %swap3A_80 {strides = array<i32>} : memref<128x128xf32, #tpu.memory_space<vmem>>, vector<1x16xf32>,
      %scan3A_81 = arith.constant 0 : i32
      scf.yield %scan3A_81 : i32
    }
    %scan3A_7 = arith.constant 128 : i32
    %mul3A_8 = arith.constant 640 : i32
    %mul3A_9 = arith.muli %arg1, %mul3A_8 : i32
    %add3A_10 = arith.constant 0 : i32
    %add3A_11 = arith.addi %mul3A_9, %add3A_10 : i32
    "tpu.region"() ({
      %run_scoped3A = tpu.sem_alloc : memref<!tpu.dma_semaphore, #tpu.memory_space<semaphore_mem>>
      %dma_start3A = arith.constant 0 : i32
      %dma_start3A_40 = tpu.memref_slice %arg6[%add3A_11, %dma_start3A] : memref<10240x128xf32, #tpu.memory_space<vmem_shared>> -> memref<128x128xf32, #tpu.memory_space<vmem_shared>>
      %dma_start3A_41 = arith.constant 0 : i32
      %dma_start3A_42 = tpu.memref_slice %arg6[%add3A_11, %dma_start3A_41] : memref<10240x128xf32, #tpu.memory_space<vmem_shared>> -> memref<128x128xf32, #tpu.memory_space<vmem_shared>>
      tpu.enqueue_dma source(%arg9 : memref<128x128xf32, #tpu.memory_space<vmem>>) target(%dma_start3A_42 : memref<128x128xf32, #tpu.memory_space<vmem_shared>>) target_semaphore(%run_scoped3A : memref<!tpu.dma_semaphore, #tpu.memory_space<semaphore_mem>>)
      %dma_wait3A = arith.constant 0 : i32
      %dma_wait3A_43 = tpu.memref_slice %arg6[%add3A_11, %dma_wait3A] : memref<10240x128xf32, #tpu.memory_space<vmem_shared>> -> memref<128x128xf32, #tpu.memory_space<vmem_shared>>
      %dma_wait3A_44 = arith.constant 0 : i32
      %dma_wait3A_45 = tpu.memref_slice %arg6[%add3A_11, %dma_wait3A_44] : memref<10240x128xf32, #tpu.memory_space<vmem_shared>> -> memref<128x128xf32, #tpu.memory_space<vmem_shared>>
      tpu.wait_dma2 semaphore(%run_scoped3A : memref<!tpu.dma_semaphore, #tpu.memory_space<semaphore_mem>>) src(%arg9 : memref<128x128xf32, #tpu.memory_space<vmem>>) dst(%dma_wait3A_45 : memref<128x128xf32, #tpu.memory_space<vmem_shared>>)
      tpu.yield
    }) : () -> ()
    %mul3A_12 = arith.constant 640 : i32
    %mul3A_13 = arith.muli %arg1, %mul3A_12 : i32
    %add3A_14 = arith.constant 128 : i32
    %add3A_15 = arith.addi %mul3A_13, %add3A_14 : i32
    "tpu.region"() ({
      %run_scoped3A = tpu.sem_alloc : memref<!tpu.dma_semaphore, #tpu.memory_space<semaphore_mem>>
      %dma_start3A = arith.constant 0 : i32
      %dma_start3A_40 = tpu.memref_slice %arg6[%add3A_15, %dma_start3A] : memref<10240x128xf32, #tpu.memory_space<vmem_shared>> -> memref<128x128xf32, #tpu.memory_space<vmem_shared>>
      %dma_start3A_41 = arith.constant 0 : i32
      %dma_start3A_42 = tpu.memref_slice %arg6[%add3A_15, %dma_start3A_41] : memref<10240x128xf32, #tpu.memory_space<vmem_shared>> -> memref<128x128xf32, #tpu.memory_space<vmem_shared>>
      tpu.enqueue_dma source(%arg9 : memref<128x128xf32, #tpu.memory_space<vmem>>) target(%dma_start3A_42 : memref<128x128xf32, #tpu.memory_space<vmem_shared>>) target_semaphore(%run_scoped3A : memref<!tpu.dma_semaphore, #tpu.memory_space<semaphore_mem>>)
      %dma_wait3A = arith.constant 0 : i32
      %dma_wait3A_43 = tpu.memref_slice %arg6[%add3A_15, %dma_wait3A] : memref<10240x128xf32, #tpu.memory_space<vmem_shared>> -> memref<128x128xf32, #tpu.memory_space<vmem_shared>>
      %dma_wait3A_44 = arith.constant 0 : i32
      %dma_wait3A_45 = tpu.memref_slice %arg6[%add3A_15, %dma_wait3A_44] : memref<10240x128xf32, #tpu.memory_space<vmem_shared>> -> memref<128x128xf32, #tpu.memory_space<vmem_shared>>
      tpu.wait_dma2 semaphore(%run_scoped3A : memref<!tpu.dma_semaphore, #tpu.memory_space<semaphore_mem>>) src(%arg9 : memref<128x128xf32, #tpu.memory_space<vmem>>) dst(%dma_wait3A_45 : memref<128x128xf32, #tpu.memory_space<vmem_shared>>)
      tpu.yield
    }) : () -> ()
    %mul3A_16 = arith.constant 640 : i32
    %mul3A_17 = arith.muli %arg1, %mul3A_16 : i32
    %add3A_18 = arith.constant 256 : i32
    %add3A_19 = arith.addi %mul3A_17, %add3A_18 : i32
    "tpu.region"() ({
      %run_scoped3A = tpu.sem_alloc : memref<!tpu.dma_semaphore, #tpu.memory_space<semaphore_mem>>
      %dma_start3A = arith.constant 0 : i32
      %dma_start3A_40 = tpu.memref_slice %arg6[%add3A_19, %dma_start3A] : memref<10240x128xf32, #tpu.memory_space<vmem_shared>> -> memref<128x128xf32, #tpu.memory_space<vmem_shared>>
      %dma_start3A_41 = arith.constant 0 : i32
      %dma_start3A_42 = tpu.memref_slice %arg6[%add3A_19, %dma_start3A_41] : memref<10240x128xf32, #tpu.memory_space<vmem_shared>> -> memref<128x128xf32, #tpu.memory_space<vmem_shared>>
      tpu.enqueue_dma source(%arg9 : memref<128x128xf32, #tpu.memory_space<vmem>>) target(%dma_start3A_42 : memref<128x128xf32, #tpu.memory_space<vmem_shared>>) target_semaphore(%run_scoped3A : memref<!tpu.dma_semaphore, #tpu.memory_space<semaphore_mem>>)
      %dma_wait3A = arith.constant 0 : i32
      %dma_wait3A_43 = tpu.memref_slice %arg6[%add3A_19, %dma_wait3A] : memref<10240x128xf32, #tpu.memory_space<vmem_shared>> -> memref<128x128xf32, #tpu.memory_space<vmem_shared>>
      %dma_wait3A_44 = arith.constant 0 : i32
      %dma_wait3A_45 = tpu.memref_slice %arg6[%add3A_19, %dma_wait3A_44] : memref<10240x128xf32, #tpu.memory_space<vmem_shared>> -> memref<128x128xf32, #tpu.memory_space<vmem_shared>>
      tpu.wait_dma2 semaphore(%run_scoped3A : memref<!tpu.dma_semaphore, #tpu.memory_space<semaphore_mem>>) src(%arg9 : memref<128x128xf32, #tpu.memory_space<vmem>>) dst(%dma_wait3A_45 : memref<128x128xf32, #tpu.memory_space<vmem_shared>>)
      tpu.yield
    }) : () -> ()
    %mul3A_20 = arith.constant 640 : i32
    %mul3A_21 = arith.muli %arg1, %mul3A_20 : i32
    %add3A_22 = arith.constant 384 : i32
    %add3A_23 = arith.addi %mul3A_21, %add3A_22 : i32
    "tpu.region"() ({
      %run_scoped3A = tpu.sem_alloc : memref<!tpu.dma_semaphore, #tpu.memory_space<semaphore_mem>>
      %dma_start3A = arith.constant 0 : i32
      %dma_start3A_40 = tpu.memref_slice %arg6[%add3A_23, %dma_start3A] : memref<10240x128xf32, #tpu.memory_space<vmem_shared>> -> memref<128x128xf32, #tpu.memory_space<vmem_shared>>
      %dma_start3A_41 = arith.constant 0 : i32
      %dma_start3A_42 = tpu.memref_slice %arg6[%add3A_23, %dma_start3A_41] : memref<10240x128xf32, #tpu.memory_space<vmem_shared>> -> memref<128x128xf32, #tpu.memory_space<vmem_shared>>
      tpu.enqueue_dma source(%arg9 : memref<128x128xf32, #tpu.memory_space<vmem>>) target(%dma_start3A_42 : memref<128x128xf32, #tpu.memory_space<vmem_shared>>) target_semaphore(%run_scoped3A : memref<!tpu.dma_semaphore, #tpu.memory_space<semaphore_mem>>)
      %dma_wait3A = arith.constant 0 : i32
      %dma_wait3A_43 = tpu.memref_slice %arg6[%add3A_23, %dma_wait3A] : memref<10240x128xf32, #tpu.memory_space<vmem_shared>> -> memref<128x128xf32, #tpu.memory_space<vmem_shared>>
      %dma_wait3A_44 = arith.constant 0 : i32
      %dma_wait3A_45 = tpu.memref_slice %arg6[%add3A_23, %dma_wait3A_44] : memref<10240x128xf32, #tpu.memory_space<vmem_shared>> -> memref<128x128xf32, #tpu.memory_space<vmem_shared>>
      tpu.wait_dma2 semaphore(%run_scoped3A : memref<!tpu.dma_semaphore, #tpu.memory_space<semaphore_mem>>) src(%arg9 : memref<128x128xf32, #tpu.memory_space<vmem>>) dst(%dma_wait3A_45 : memref<128x128xf32, #tpu.memory_space<vmem_shared>>)
      tpu.yield
    }) : () -> ()
    %mul3A_24 = arith.constant 640 : i32
    %mul3A_25 = arith.muli %arg1, %mul3A_24 : i32
    %add3A_26 = arith.constant 512 : i32
    %add3A_27 = arith.addi %mul3A_25, %add3A_26 : i32
    "tpu.region"() ({
      %run_scoped3A = tpu.sem_alloc : memref<!tpu.dma_semaphore, #tpu.memory_space<semaphore_mem>>
      %dma_start3A = arith.constant 0 : i32
      %dma_start3A_40 = tpu.memref_slice %arg6[%add3A_27, %dma_start3A] : memref<10240x128xf32, #tpu.memory_space<vmem_shared>> -> memref<128x128xf32, #tpu.memory_space<vmem_shared>>
      %dma_start3A_41 = arith.constant 0 : i32
      %dma_start3A_42 = tpu.memref_slice %arg6[%add3A_27, %dma_start3A_41] : memref<10240x128xf32, #tpu.memory_space<vmem_shared>> -> memref<128x128xf32, #tpu.memory_space<vmem_shared>>
      tpu.enqueue_dma source(%arg9 : memref<128x128xf32, #tpu.memory_space<vmem>>) target(%dma_start3A_42 : memref<128x128xf32, #tpu.memory_space<vmem_shared>>) target_semaphore(%run_scoped3A : memref<!tpu.dma_semaphore, #tpu.memory_space<semaphore_mem>>)
      %dma_wait3A = arith.constant 0 : i32
      %dma_wait3A_43 = tpu.memref_slice %arg6[%add3A_27, %dma_wait3A] : memref<10240x128xf32, #tpu.memory_space<vmem_shared>> -> memref<128x128xf32, #tpu.memory_space<vmem_shared>>
      %dma_wait3A_44 = arith.constant 0 : i32
      %dma_wait3A_45 = tpu.memref_slice %arg6[%add3A_27, %dma_wait3A_44] : memref<10240x128xf32, #tpu.memory_space<vmem_shared>> -> memref<128x128xf32, #tpu.memory_space<vmem_shared>>
      tpu.wait_dma2 semaphore(%run_scoped3A : memref<!tpu.dma_semaphore, #tpu.memory_space<semaphore_mem>>) src(%arg9 : memref<128x128xf32, #tpu.memory_space<vmem>>) dst(%dma_wait3A_45 : memref<128x128xf32, #tpu.memory_space<vmem_shared>>)
      tpu.yield
    }) : () -> ()
    "tpu.region"() ({
      %run_scoped3A = tpu.sem_alloc : memref<!tpu.dma_semaphore, #tpu.memory_space<semaphore_mem>>
      %dma_start3A = arith.constant 0 : i32
      %dma_start3A_40 = arith.constant 0 : i32
      %dma_start3A_41 = tpu.memref_slice %arg4[%add3A, %dma_start3A, %dma_start3A_40] : memref<32x79x128xi32, #tpu.memory_space<hbm>> -> memref<1x79x128xi32, #tpu.memory_space<hbm>>
      %dma_start3A_42 = tpu.memref_squeeze %dma_start3A_41 : memref<1x79x128xi32, #tpu.memory_space<hbm>> -> memref<79x128xi32, #tpu.memory_space<hbm>>
      %dma_start3A_43 = arith.constant 0 : i32
      %dma_start3A_44 = arith.constant 0 : i32
      %dma_start3A_45 = tpu.memref_slice %arg4[%add3A, %dma_start3A_43, %dma_start3A_44] : memref<32x79x128xi32, #tpu.memory_space<hbm>> -> memref<1x79x128xi32, #tpu.memory_space<hbm>>
      %dma_start3A_46 = tpu.memref_squeeze %dma_start3A_45 : memref<1x79x128xi32, #tpu.memory_space<hbm>> -> memref<79x128xi32, #tpu.memory_space<hbm>>
      tpu.enqueue_dma source(%dma_start3A_46 : memref<79x128xi32, #tpu.memory_space<hbm>>) target(%arg7 : memref<79x128xi32, #tpu.memory_space<vmem>>) target_semaphore(%run_scoped3A : memref<!tpu.dma_semaphore, #tpu.memory_space<semaphore_mem>>)
      %dma_wait3A = arith.constant 0 : i32
      %dma_wait3A_47 = arith.constant 0 : i32
      %dma_wait3A_48 = tpu.memref_slice %arg4[%add3A, %dma_wait3A, %dma_wait3A_47] : memref<32x79x128xi32, #tpu.memory_space<hbm>> -> memref<1x79x128xi32, #tpu.memory_space<hbm>>
      %dma_wait3A_49 = tpu.memref_squeeze %dma_wait3A_48 : memref<1x79x128xi32, #tpu.memory_space<hbm>> -> memref<79x128xi32, #tpu.memory_space<hbm>>
      %dma_wait3A_50 = arith.constant 0 : i32
      %dma_wait3A_51 = arith.constant 0 : i32
      %dma_wait3A_52 = tpu.memref_slice %arg4[%add3A, %dma_wait3A_50, %dma_wait3A_51] : memref<32x79x128xi32, #tpu.memory_space<hbm>> -> memref<1x79x128xi32, #tpu.memory_space<hbm>>
      %dma_wait3A_53 = tpu.memref_squeeze %dma_wait3A_52 : memref<1x79x128xi32, #tpu.memory_space<hbm>> -> memref<79x128xi32, #tpu.memory_space<hbm>>
      tpu.wait_dma2 semaphore(%run_scoped3A : memref<!tpu.dma_semaphore, #tpu.memory_space<semaphore_mem>>) src(%dma_wait3A_53 : memref<79x128xi32, #tpu.memory_space<hbm>>) dst(%arg7 : memref<79x128xi32, #tpu.memory_space<vmem>>)
      tpu.yield
    }) : () -> ()
    "tpu.region"() ({
      %run_scoped3A = tpu.sem_alloc : memref<!tpu.dma_semaphore, #tpu.memory_space<semaphore_mem>>
      %dma_start3A = arith.constant 0 : i32
      %dma_start3A_40 = arith.constant 0 : i32
      %dma_start3A_41 = tpu.memref_slice %arg3[%add3A, %dma_start3A, %dma_start3A_40] : memref<32x79x128xi32, #tpu.memory_space<hbm>> -> memref<1x79x128xi32, #tpu.memory_space<hbm>>
      %dma_start3A_42 = tpu.memref_squeeze %dma_start3A_41 : memref<1x79x128xi32, #tpu.memory_space<hbm>> -> memref<79x128xi32, #tpu.memory_space<hbm>>
      %dma_start3A_43 = arith.constant 0 : i32
      %dma_start3A_44 = arith.constant 0 : i32
      %dma_start3A_45 = tpu.memref_slice %arg3[%add3A, %dma_start3A_43, %dma_start3A_44] : memref<32x79x128xi32, #tpu.memory_space<hbm>> -> memref<1x79x128xi32, #tpu.memory_space<hbm>>
      %dma_start3A_46 = tpu.memref_squeeze %dma_start3A_45 : memref<1x79x128xi32, #tpu.memory_space<hbm>> -> memref<79x128xi32, #tpu.memory_space<hbm>>
      tpu.enqueue_dma source(%dma_start3A_46 : memref<79x128xi32, #tpu.memory_space<hbm>>) target(%arg8 : memref<79x128xi32, #tpu.memory_space<vmem>>) target_semaphore(%run_scoped3A : memref<!tpu.dma_semaphore, #tpu.memory_space<semaphore_mem>>)
      %dma_wait3A = arith.constant 0 : i32
      %dma_wait3A_47 = arith.constant 0 : i32
      %dma_wait3A_48 = tpu.memref_slice %arg3[%add3A, %dma_wait3A, %dma_wait3A_47] : memref<32x79x128xi32, #tpu.memory_space<hbm>> -> memref<1x79x128xi32, #tpu.memory_space<hbm>>
      %dma_wait3A_49 = tpu.memref_squeeze %dma_wait3A_48 : memref<1x79x128xi32, #tpu.memory_space<hbm>> -> memref<79x128xi32, #tpu.memory_space<hbm>>
      %dma_wait3A_50 = arith.constant 0 : i32
      %dma_wait3A_51 = arith.constant 0 : i32
      %dma_wait3A_52 = tpu.memref_slice %arg3[%add3A, %dma_wait3A_50, %dma_wait3A_51] : memref<32x79x128xi32, #tpu.memory_space<hbm>> -> memref<1x79x128xi32, #tpu.memory_space<hbm>>
      %dma_wait3A_53 = tpu.memref_squeeze %dma_wait3A_52 : memref<1x79x128xi32, #tpu.memory_space<hbm>> -> memref<79x128xi32, #tpu.memory_space<hbm>>
      tpu.wait_dma2 semaphore(%run_scoped3A : memref<!tpu.dma_semaphore, #tpu.memory_space<semaphore_mem>>) src(%dma_wait3A_53 : memref<79x128xi32, #tpu.memory_space<hbm>>) dst(%arg8 : memref<79x128xi32, #tpu.memory_space<vmem>>)
      tpu.yield
    }) : () -> ()
    %barrier3A = arith.constant 0 : index
    tpu.barrier barrier_id(%barrier3A)
    %scan3A_28 = arith.constant 0 : i32
    %scan3A_29 = arith.constant 0 : i32
    %scan3A_30 = arith.constant 79 : i32
    %scan3A_31 = arith.addi %scan3A_29, %scan3A_30 : i32
    %scan3A_32 = arith.constant 1 : i32
    %scan3A_33 = scf.for %scan3A_40 = %scan3A_29 to %scan3A_31 step %scan3A_32 iter_args(%scan3A_41 = %scan3A_28) -> (i32)  : i32 {
      %mul3A_42 = arith.constant 1 : i32
      %mul3A_43 = arith.muli %scan3A_40, %mul3A_42 : i32
      %add3A_44 = arith.constant 0 : i32
      %add3A_45 = arith.addi %mul3A_43, %add3A_44 : i32
      %dma_start3A = arith.constant 0 : i32
      %dma_start3A_46 = tpu.memref_slice %arg8[%add3A_45, %dma_start3A] : memref<79x128xi32, #tpu.memory_space<vmem>> -> memref<1x128xi32, #tpu.memory_space<vmem>>
      %dma_start3A_47 = tpu.memref_squeeze %dma_start3A_46 : memref<1x128xi32, #tpu.memory_space<vmem>> -> memref<128xi32, #tpu.memory_space<vmem>>
      %dma_start3A_48 = arith.constant 0 : i32
      %dma_start3A_49 = arith.constant 0 : i32
      %dma_start3A_50 = tpu.memref_slice %arg2[%dma_start3A_48, %dma_start3A_49] : memref<10000x128xf32, #tpu.memory_space<hbm>> -> memref<10000x128xf32, #tpu.memory_space<hbm>>
      tpu.enqueue_indirect_dma source(%dma_start3A_50 : memref<10000x128xf32, #tpu.memory_space<hbm>>) target(%arg9 : memref<128x128xf32, #tpu.memory_space<vmem>>) offsets(%dma_start3A_47 : memref<128xi32, #tpu.memory_space<vmem>>) semaphore(%arg10 : memref<!tpu.dma_semaphore, #tpu.memory_space<semaphore_mem>>)
      %dma_wait3A = arith.constant 0 : i32
      %dma_wait3A_51 = tpu.memref_slice %arg8[%add3A_45, %dma_wait3A] : memref<79x128xi32, #tpu.memory_space<vmem>> -> memref<1x128xi32, #tpu.memory_space<vmem>>
      %dma_wait3A_52 = tpu.memref_squeeze %dma_wait3A_51 : memref<1x128xi32, #tpu.memory_space<vmem>> -> memref<128xi32, #tpu.memory_space<vmem>>
      %dma_wait3A_53 = arith.constant 0 : i32
      %dma_wait3A_54 = arith.constant 0 : i32
      %dma_wait3A_55 = tpu.memref_slice %arg2[%dma_wait3A_53, %dma_wait3A_54] : memref<10000x128xf32, #tpu.memory_space<hbm>> -> memref<10000x128xf32, #tpu.memory_space<hbm>>
      tpu.wait_indirect_dma semaphore(%arg10 : memref<!tpu.dma_semaphore, #tpu.memory_space<semaphore_mem>>) src(%dma_wait3A_55 : memref<10000x128xf32, #tpu.memory_space<hbm>>) dst(%arg9 : memref<128x128xf32, #tpu.memory_space<vmem>>)
      %add3A_56 = arith.constant 0 : i32
      %add3A_57 = arith.addi %mul3A_43, %add3A_56 : i32
      "tpu.region"() ({
        %run_scoped3A = tpu.sem_alloc : memref<!tpu.dma_semaphore, #tpu.memory_space<semaphore_mem>>
        %dma_start3A_59 = arith.constant 0 : i32
        %dma_start3A_60 = tpu.memref_slice %arg7[%add3A_57, %dma_start3A_59] : memref<79x128xi32, #tpu.memory_space<vmem>> -> memref<1x128xi32, #tpu.memory_space<vmem>>
        %dma_start3A_61 = tpu.memref_squeeze %dma_start3A_60 : memref<1x128xi32, #tpu.memory_space<vmem>> -> memref<128xi32, #tpu.memory_space<vmem>>
        %dma_start3A_62 = arith.constant 0 : i32
        %dma_start3A_63 = arith.constant 0 : i32
        %dma_start3A_64 = tpu.memref_slice %arg6[%dma_start3A_62, %dma_start3A_63] : memref<10240x128xf32, #tpu.memory_space<vmem_shared>> -> memref<10240x128xf32, #tpu.memory_space<vmem_shared>>
        tpu.enqueue_indirect_dma source(%arg9 : memref<128x128xf32, #tpu.memory_space<vmem>>) target(%dma_start3A_64 : memref<10240x128xf32, #tpu.memory_space<vmem_shared>>) offsets(%dma_start3A_61 : memref<128xi32, #tpu.memory_space<vmem>>) semaphore(%run_scoped3A : memref<!tpu.dma_semaphore, #tpu.memory_space<semaphore_mem>>) {add = true}
        %dma_wait3A_65 = arith.constant 0 : i32
        %dma_wait3A_66 = tpu.memref_slice %arg7[%add3A_57, %dma_wait3A_65] : memref<79x128xi32, #tpu.memory_space<vmem>> -> memref<1x128xi32, #tpu.memory_space<vmem>>
        %dma_wait3A_67 = tpu.memref_squeeze %dma_wait3A_66 : memref<1x128xi32, #tpu.memory_space<vmem>> -> memref<128xi32, #tpu.memory_space<vmem>>
        %dma_wait3A_68 = arith.constant 0 : i32
        %dma_wait3A_69 = arith.constant 0 : i32
        %dma_wait3A_70 = tpu.memref_slice %arg6[%dma_wait3A_68, %dma_wait3A_69] : memref<10240x128xf32, #tpu.memory_space<vmem_shared>> -> memref<10240x128xf32, #tpu.memory_space<vmem_shared>>
        tpu.wait_indirect_dma semaphore(%run_scoped3A : memref<!tpu.dma_semaphore, #tpu.memory_space<semaphore_mem>>) src(%arg9 : memref<128x128xf32, #tpu.memory_space<vmem>>) dst(%dma_wait3A_70 : memref<10240x128xf32, #tpu.memory_space<vmem_shared>>)
        tpu.yield
      }) : () -> ()
      %scan3A_58 = arith.constant 0 : i32
      scf.yield %scan3A_58 : i32
    }
    %scan3A_34 = arith.constant 79 : i32
    %barrier3A_35 = arith.constant 0 : index
    tpu.barrier barrier_id(%barrier3A_35)
    %mul3A_36 = arith.constant 640 : i32
    %mul3A_37 = arith.muli %arg1, %mul3A_36 : i32
    %mul3A_38 = arith.constant 640 : i32
    %mul3A_39 = arith.muli %arg1, %mul3A_38 : i32
    "tpu.region"() ({
      %run_scoped3A = tpu.sem_alloc : memref<!tpu.dma_semaphore, #tpu.memory_space<semaphore_mem>>
      %dma_start3A = arith.constant 0 : i32
      %dma_start3A_40 = tpu.memref_slice %arg5[%arg0, %mul3A_39, %dma_start3A] : memref<2x10240x128xf32, #tpu.memory_space<hbm>> -> memref<1x640x128xf32, #tpu.memory_space<hbm>>
      %dma_start3A_41 = tpu.memref_squeeze %dma_start3A_40 : memref<1x640x128xf32, #tpu.memory_space<hbm>> -> memref<640x128xf32, #tpu.memory_space<hbm>>
      %dma_start3A_42 = arith.constant 0 : i32
      %dma_start3A_43 = tpu.memref_slice %arg6[%mul3A_37, %dma_start3A_42] : memref<10240x128xf32, #tpu.memory_space<vmem_shared>> -> memref<640x128xf32, #tpu.memory_space<vmem_shared>>
      tpu.enqueue_dma source(%dma_start3A_43 : memref<640x128xf32, #tpu.memory_space<vmem_shared>>) target(%dma_start3A_41 : memref<640x128xf32, #tpu.memory_space<hbm>>) target_semaphore(%run_scoped3A : memref<!tpu.dma_semaphore, #tpu.memory_space<semaphore_mem>>)
      %dma_wait3A = arith.constant 0 : i32
      %dma_wait3A_44 = tpu.memref_slice %arg5[%arg0, %mul3A_39, %dma_wait3A] : memref<2x10240x128xf32, #tpu.memory_space<hbm>> -> memref<1x640x128xf32, #tpu.memory_space<hbm>>
      %dma_wait3A_45 = tpu.memref_squeeze %dma_wait3A_44 : memref<1x640x128xf32, #tpu.memory_space<hbm>> -> memref<640x128xf32, #tpu.memory_space<hbm>>
      %dma_wait3A_46 = arith.constant 0 : i32
      %dma_wait3A_47 = tpu.memref_slice %arg6[%mul3A_37, %dma_wait3A_46] : memref<10240x128xf32, #tpu.memory_space<vmem_shared>> -> memref<640x128xf32, #tpu.memory_space<vmem_shared>>
      tpu.wait_dma2 semaphore(%run_scoped3A : memref<!tpu.dma_semaphore, #tpu.memory_space<semaphore_mem>>) src(%dma_wait3A_47 : memref<640x128xf32, #tpu.memory_space<vmem_shared>>) dst(%dma_wait3A_45 : memref<640x128xf32, #tpu.memory_space<hbm>>)
      tpu.yield
    }) : () -> ()
    return
  }
}

module attributes {stable_mosaic.version = 14 : i64} {
  func.func @_mid_body(%arg0: i32, %arg1: memref<2x1000x128xf32, #tpu.memory_space<vmem>>, %arg2: memref<1000x128xf32, #tpu.memory_space<vmem>>, %arg3: memref<2x1000x16xf32, #tpu.memory_space<vmem>>, %arg4: memref<128x256xf32, #tpu.memory_space<vmem>>, %arg5: memref<1x256xf32, #tpu.memory_space<vmem>>, %arg6: memref<256x16xf32, #tpu.memory_space<vmem>>, %arg7: memref<1000x16xf32, #tpu.memory_space<vmem>>) attributes {dimension_semantics = [#tpu.dimension_semantics<arbitrary>], iteration_bounds = array<i64: 10>, scalar_prefetch = 0 : i64, scratch_operands = 0 : i64, tpu.core_type = #tpu.core_type<tc>, window_params = [{transform_indices = @transform_0, window_bounds = array<i64: 2, 1000, 128>}, {transform_indices = @transform_1, window_bounds = array<i64: 1000, 128>}, {transform_indices = @transform_2, window_bounds = array<i64: 2, 1000, 16>}, {pipeline_mode = #tpu.pipeline_mode<synchronous>, transform_indices = @transform_3, window_bounds = array<i64: 128, 256>}, {pipeline_mode = #tpu.pipeline_mode<synchronous>, transform_indices = @transform_4, window_bounds = array<i64: 1, 256>}, {pipeline_mode = #tpu.pipeline_mode<synchronous>, transform_indices = @transform_5, window_bounds = array<i64: 256, 16>}, {transform_indices = @transform_6, window_bounds = array<i64: 1000, 16>}]} {
    %get3A = arith.constant 0 : index
    %get3A_0 = arith.constant 0 : index
    %get3A_1 = arith.constant 0 : index
    %get3A_2 = vector.load %arg3[%get3A, %get3A_0, %get3A_1] : memref<2x1000x16xf32, #tpu.memory_space<vmem>>, vector<1x1000x1xf32>
    %get3A_3 = vector.shape_cast %get3A_2 : vector<1x1000x1xf32> to vector<1000x1xf32>
    %get3A_4 = arith.constant 1 : index
    %get3A_5 = arith.constant 0 : index
    %get3A_6 = arith.constant 0 : index
    %get3A_7 = vector.load %arg3[%get3A_4, %get3A_5, %get3A_6] : memref<2x1000x16xf32, #tpu.memory_space<vmem>>, vector<1x1000x1xf32>
    %get3A_8 = vector.shape_cast %get3A_7 : vector<1x1000x1xf32> to vector<1000x1xf32>
    %add3A = arith.addf %get3A_3, %get3A_8 : vector<1000x1xf32>
    %add3A_9 = arith.constant 1.000000e+00 : f32
    %add3A_10 = vector.broadcast %add3A_9 : f32 to vector<1000x1xf32>
    %add3A_11 = arith.addf %add3A, %add3A_10 : vector<1000x1xf32>
    %rsqrt3A = math.rsqrt %add3A_11 : vector<1000x1xf32>
    %get3A_12 = arith.constant 0 : index
    %get3A_13 = arith.constant 0 : index
    %get3A_14 = arith.constant 0 : index
    %get3A_15 = vector.load %arg1[%get3A_12, %get3A_13, %get3A_14] : memref<2x1000x128xf32, #tpu.memory_space<vmem>>, vector<1x1000x128xf32>
    %get3A_16 = vector.shape_cast %get3A_15 : vector<1x1000x128xf32> to vector<1000x128xf32>
    %get3A_17 = arith.constant 1 : index
    %get3A_18 = arith.constant 0 : index
    %get3A_19 = arith.constant 0 : index
    %get3A_20 = vector.load %arg1[%get3A_17, %get3A_18, %get3A_19] : memref<2x1000x128xf32, #tpu.memory_space<vmem>>, vector<1x1000x128xf32>
    %get3A_21 = vector.shape_cast %get3A_20 : vector<1x1000x128xf32> to vector<1000x128xf32>
    %add3A_22 = arith.addf %get3A_16, %get3A_21 : vector<1000x128xf32>
    %get3A_23 = arith.constant 0 : index
    %get3A_24 = arith.constant 0 : index
    %get3A_25 = vector.load %arg2[%get3A_23, %get3A_24] : memref<1000x128xf32, #tpu.memory_space<vmem>>, vector<1000x128xf32>
    %add3A_26 = arith.addf %add3A_22, %get3A_25 : vector<1000x128xf32>
    %mul3A = vector.broadcast %rsqrt3A : vector<1000x1xf32> to vector<1000x128xf32>
    %mul3A_27 = arith.mulf %add3A_26, %mul3A : vector<1000x128xf32>
    %get3A_28 = arith.constant 0 : index
    %get3A_29 = arith.constant 0 : index
    %get3A_30 = vector.load %arg4[%get3A_28, %get3A_29] : memref<128x256xf32, #tpu.memory_space<vmem>>, vector<128x256xf32>
    %dot_general3A = arith.constant dense<0.000000e+00> : vector<1000x256xf32>
    %dot_general3A_31 = tpu.matmul %mul3A_27, %get3A_30, %dot_general3A {dimension_numbers = #tpu.dot_dimension_numbers<[1], [0], [0], [1], [0, 0, 1, 1], [], []>, precision = #tpu.contract_precision<fp32>, transpose_lhs_hint = false} : vector<1000x128xf32>, vector<128x256xf32>, vector<1000x256xf32> -> vector<1000x256xf32>
    %get3A_32 = arith.constant 0 : index
    %get3A_33 = arith.constant 0 : index
    %get3A_34 = vector.load %arg5[%get3A_32, %get3A_33] : memref<1x256xf32, #tpu.memory_space<vmem>>, vector<1x256xf32>
    %add3A_35 = vector.broadcast %get3A_34 : vector<1x256xf32> to vector<1000x256xf32>
    %add3A_36 = arith.addf %dot_general3A_31, %add3A_35 : vector<1000x256xf32>
    %max3A = arith.constant 0.000000e+00 : f32
    %max3A_37 = vector.broadcast %max3A : f32 to vector<1000x256xf32>
    %max3A_38 = arith.maximumf %add3A_36, %max3A_37 : vector<1000x256xf32>
    %get3A_39 = arith.constant 0 : index
    %get3A_40 = arith.constant 0 : index
    %get3A_41 = vector.load %arg6[%get3A_39, %get3A_40] : memref<256x16xf32, #tpu.memory_space<vmem>>, vector<256x16xf32>
    %dot_general3A_42 = arith.constant dense<0.000000e+00> : vector<1000x16xf32>
    %dot_general3A_43 = tpu.matmul %max3A_38, %get3A_41, %dot_general3A_42 {dimension_numbers = #tpu.dot_dimension_numbers<[1], [0], [0], [1], [0, 0, 1, 1], [], []>, precision = #tpu.contract_precision<fp32>, transpose_lhs_hint = false} : vector<1000x256xf32>, vector<256x16xf32>, vector<1000x16xf32> -> vector<1000x16xf32>
    %swap3A = arith.constant 0 : index
    %swap3A_44 = arith.constant 0 : index
    %swap3A_45 = vector.load %arg7[%swap3A, %swap3A_44] : memref<1000x16xf32, #tpu.memory_space<vmem>>, vector<1000x16xf32>
    tpu.vector_store %arg7[%swap3A, %swap3A_44], %dot_general3A_43 {strides = array<i32>} : memref<1000x16xf32, #tpu.memory_space<vmem>>, vector<1000x16xf32>,
    return
  }
  func.func @transform_0(%arg0: i32) -> (i32, i32, i32) {
    %c0_i32 = arith.constant 0 : i32
    %c0_i32_0 = arith.constant 0 : i32
    %c0_i32_1 = arith.constant 0 : i32
    return %c0_i32, %arg0, %c0_i32_0 : i32, i32, i32
  }
  func.func @transform_1(%arg0: i32) -> (i32, i32) {
    %c0_i32 = arith.constant 0 : i32
    %c0_i32_0 = arith.constant 0 : i32
    return %arg0, %c0_i32 : i32, i32
  }
  func.func @transform_2(%arg0: i32) -> (i32, i32, i32) {
    %c0_i32 = arith.constant 0 : i32
    %c0_i32_0 = arith.constant 0 : i32
    %c0_i32_1 = arith.constant 0 : i32
    return %c0_i32, %arg0, %c0_i32_0 : i32, i32, i32
  }
  func.func @transform_3(%arg0: i32) -> (i32, i32) {
    %c0_i32 = arith.constant 0 : i32
    %c0_i32_0 = arith.constant 0 : i32
    %c0_i32_1 = arith.constant 0 : i32
    return %c0_i32, %c0_i32_0 : i32, i32
  }
  func.func @transform_4(%arg0: i32) -> (i32, i32) {
    %c0_i32 = arith.constant 0 : i32
    %c0_i32_0 = arith.constant 0 : i32
    %c0_i32_1 = arith.constant 0 : i32
    return %c0_i32, %c0_i32_0 : i32, i32
  }
  func.func @transform_5(%arg0: i32) -> (i32, i32) {
    %c0_i32 = arith.constant 0 : i32
    %c0_i32_0 = arith.constant 0 : i32
    %c0_i32_1 = arith.constant 0 : i32
    return %c0_i32, %c0_i32_0 : i32, i32
  }
  func.func @transform_6(%arg0: i32) -> (i32, i32) {
    %c0_i32 = arith.constant 0 : i32
    %c0_i32_0 = arith.constant 0 : i32
    return %arg0, %c0_i32 : i32, i32
  }
}

module attributes {stable_mosaic.version = 14 : i64} {
  func.func @_out_body(%arg0: i32, %arg1: memref<2x1000x16xf32, #tpu.memory_space<vmem>>, %arg2: memref<1000x16xf32, #tpu.memory_space<vmem>>, %arg3: memref<2x1000x16xf32, #tpu.memory_space<vmem>>, %arg4: memref<1x16xf32, #tpu.memory_space<vmem>>, %arg5: memref<1000x16xf32, #tpu.memory_space<vmem>>, %arg6: memref<1000x16xf32, #tpu.memory_space<vmem>>) attributes {dimension_semantics = [#tpu.dimension_semantics<arbitrary>], iteration_bounds = array<i64: 10>, scalar_prefetch = 0 : i64, scratch_operands = 0 : i64, tpu.core_type = #tpu.core_type<tc>, window_params = [{transform_indices = @transform_0, window_bounds = array<i64: 2, 1000, 16>}, {transform_indices = @transform_1, window_bounds = array<i64: 1000, 16>}, {transform_indices = @transform_2, window_bounds = array<i64: 2, 1000, 16>}, {pipeline_mode = #tpu.pipeline_mode<synchronous>, transform_indices = @transform_3, window_bounds = array<i64: 1, 16>}, {transform_indices = @transform_4, window_bounds = array<i64: 1000, 16>}, {transform_indices = @transform_5, window_bounds = array<i64: 1000, 16>}]} {
    %get3A = arith.constant 0 : index
    %get3A_0 = arith.constant 0 : index
    %get3A_1 = arith.constant 0 : index
    %get3A_2 = vector.load %arg3[%get3A, %get3A_0, %get3A_1] : memref<2x1000x16xf32, #tpu.memory_space<vmem>>, vector<1x1000x1xf32>
    %get3A_3 = vector.shape_cast %get3A_2 : vector<1x1000x1xf32> to vector<1000x1xf32>
    %get3A_4 = arith.constant 1 : index
    %get3A_5 = arith.constant 0 : index
    %get3A_6 = arith.constant 0 : index
    %get3A_7 = vector.load %arg3[%get3A_4, %get3A_5, %get3A_6] : memref<2x1000x16xf32, #tpu.memory_space<vmem>>, vector<1x1000x1xf32>
    %get3A_8 = vector.shape_cast %get3A_7 : vector<1x1000x1xf32> to vector<1000x1xf32>
    %add3A = arith.addf %get3A_3, %get3A_8 : vector<1000x1xf32>
    %add3A_9 = arith.constant 1.000000e+00 : f32
    %add3A_10 = vector.broadcast %add3A_9 : f32 to vector<1000x1xf32>
    %add3A_11 = arith.addf %add3A, %add3A_10 : vector<1000x1xf32>
    %rsqrt3A = math.rsqrt %add3A_11 : vector<1000x1xf32>
    %get3A_12 = arith.constant 0 : index
    %get3A_13 = arith.constant 0 : index
    %get3A_14 = arith.constant 0 : index
    %get3A_15 = vector.load %arg1[%get3A_12, %get3A_13, %get3A_14] : memref<2x1000x16xf32, #tpu.memory_space<vmem>>, vector<1x1000x16xf32>
    %get3A_16 = vector.shape_cast %get3A_15 : vector<1x1000x16xf32> to vector<1000x16xf32>
    %get3A_17 = arith.constant 1 : index
    %get3A_18 = arith.constant 0 : index
    %get3A_19 = arith.constant 0 : index
    %get3A_20 = vector.load %arg1[%get3A_17, %get3A_18, %get3A_19] : memref<2x1000x16xf32, #tpu.memory_space<vmem>>, vector<1x1000x16xf32>
    %get3A_21 = vector.shape_cast %get3A_20 : vector<1x1000x16xf32> to vector<1000x16xf32>
    %add3A_22 = arith.addf %get3A_16, %get3A_21 : vector<1000x16xf32>
    %get3A_23 = arith.constant 0 : index
    %get3A_24 = arith.constant 0 : index
    %get3A_25 = vector.load %arg2[%get3A_23, %get3A_24] : memref<1000x16xf32, #tpu.memory_space<vmem>>, vector<1000x16xf32>
    %add3A_26 = arith.addf %add3A_22, %get3A_25 : vector<1000x16xf32>
    %mul3A = vector.broadcast %rsqrt3A : vector<1000x1xf32> to vector<1000x16xf32>
    %mul3A_27 = arith.mulf %add3A_26, %mul3A : vector<1000x16xf32>
    %get3A_28 = arith.constant 0 : index
    %get3A_29 = arith.constant 0 : index
    %get3A_30 = vector.load %arg4[%get3A_28, %get3A_29] : memref<1x16xf32, #tpu.memory_space<vmem>>, vector<1x16xf32>
    %add3A_31 = vector.broadcast %get3A_30 : vector<1x16xf32> to vector<1000x16xf32>
    %add3A_32 = arith.addf %mul3A_27, %add3A_31 : vector<1000x16xf32>
    %reduce_max3A = arith.constant dense<0xFF800000> : vector<1000xf32>
    %reduce_max3A_33 = vector.multi_reduction <maximumf>, %add3A_32, %reduce_max3A [1] : vector<1000x16xf32> to vector<1000xf32>
    %broadcast_in_dim3A = vector.shape_cast %reduce_max3A_33 : vector<1000xf32> to vector<1000x1xf32>
    %sub3A = vector.broadcast %broadcast_in_dim3A : vector<1000x1xf32> to vector<1000x16xf32>
    %sub3A_34 = arith.subf %add3A_32, %sub3A : vector<1000x16xf32>
    %exp3A = math.exp %sub3A_34 : vector<1000x16xf32>
    %reduce_sum3A = arith.constant dense<0.000000e+00> : vector<1000xf32>
    %reduce_sum3A_35 = vector.multi_reduction <add>, %exp3A, %reduce_sum3A [1] : vector<1000x16xf32> to vector<1000xf32>
    %broadcast_in_dim3A_36 = vector.shape_cast %reduce_sum3A_35 : vector<1000xf32> to vector<1000x1xf32>
    %log3A = math.log %broadcast_in_dim3A_36 : vector<1000x1xf32>
    %add3A_37 = arith.addf %log3A, %broadcast_in_dim3A : vector<1000x1xf32>
    %sub3A_38 = vector.broadcast %add3A_37 : vector<1000x1xf32> to vector<1000x16xf32>
    %sub3A_39 = arith.subf %add3A_32, %sub3A_38 : vector<1000x16xf32>
    %swap3A = arith.constant 0 : index
    %swap3A_40 = arith.constant 0 : index
    %swap3A_41 = vector.load %arg5[%swap3A, %swap3A_40] : memref<1000x16xf32, #tpu.memory_space<vmem>>, vector<1000x16xf32>
    tpu.vector_store %arg5[%swap3A, %swap3A_40], %sub3A_39 {strides = array<i32>} : memref<1000x16xf32, #tpu.memory_space<vmem>>, vector<1000x16xf32>,
    %swap3A_42 = arith.constant 0 : index
    %swap3A_43 = arith.constant 0 : index
    %swap3A_44 = vector.load %arg6[%swap3A_42, %swap3A_43] : memref<1000x16xf32, #tpu.memory_space<vmem>>, vector<1000x16xf32>
    tpu.vector_store %arg6[%swap3A_42, %swap3A_43], %add3A_32 {strides = array<i32>} : memref<1000x16xf32, #tpu.memory_space<vmem>>, vector<1000x16xf32>,
    return
  }
  func.func @transform_0(%arg0: i32) -> (i32, i32, i32) {
    %c0_i32 = arith.constant 0 : i32
    %c0_i32_0 = arith.constant 0 : i32
    %c0_i32_1 = arith.constant 0 : i32
    return %c0_i32, %arg0, %c0_i32_0 : i32, i32, i32
  }
  func.func @transform_1(%arg0: i32) -> (i32, i32) {
    %c0_i32 = arith.constant 0 : i32
    %c0_i32_0 = arith.constant 0 : i32
    return %arg0, %c0_i32 : i32, i32
  }
  func.func @transform_2(%arg0: i32) -> (i32, i32, i32) {
    %c0_i32 = arith.constant 0 : i32
    %c0_i32_0 = arith.constant 0 : i32
    %c0_i32_1 = arith.constant 0 : i32
    return %c0_i32, %arg0, %c0_i32_0 : i32, i32, i32
  }
  func.func @transform_3(%arg0: i32) -> (i32, i32) {
    %c0_i32 = arith.constant 0 : i32
    %c0_i32_0 = arith.constant 0 : i32
    %c0_i32_1 = arith.constant 0 : i32
    return %c0_i32, %c0_i32_0 : i32, i32
  }
  func.func @transform_4(%arg0: i32) -> (i32, i32) {
    %c0_i32 = arith.constant 0 : i32
    %c0_i32_0 = arith.constant 0 : i32
    return %arg0, %c0_i32 : i32, i32
  }
  func.func @transform_5(%arg0: i32) -> (i32, i32) {
    %c0_i32 = arith.constant 0 : i32
    %c0_i32_0 = arith.constant 0 : i32
    return %arg0, %c0_i32 : i32, i32
  }
}

</mosaic_0001>

<sc_bundles>
// kernel: kernel.10.cloned.1.call-start
scs
__scs_entry_jumppad:
0x0: {  	(pc) =	sbr.rel $0x88, $3  }
0x1: {  	(tag) =	ssettag $0x0;
	lr =	simm.s32 $0x1  }
0x2: {  	[smem:$0x3F9B] =	sst lr;
	_ =	strace $0xD0000000  }
0x3: {  	_ = 	snop  }
0x4: {  	_ = 	snop  }
0x5: {  	_ = 	snop  }
0x6: {  	_ = 	snop  }
0x7: {  	_ = 	snop  }
__scs_overlays_trampoline_lowered:
0x8: {  	[smem:$0x3FAA] =	sst s0  }
0x9: {  	[smem:$0x3FAB] =	sst s1  }
0xa: {  	[smem:$0x3FAC] =	sst s2  }
0xb: {  	[smem:$0x3FAD] =	sst s3  }
0xc: {  	[smem:$0x3FAE] =	sst s4  }
0xd: {  	[smem:$0x3FAF] =	sst s5  }
0xe: {  	[smem:$0x3FB0] =	sst s6  }
0xf: {  	[smem:$0x3FB1] =	sst s7  }
0x10: {  	[smem:$0x3FB2] =	sst s8  }
0x11: {  	[smem:$0x3FB3] =	sst s9;
	s0 =	simm.s32 @!p0 $0x0  }
0x12: {  	s1 =	sld [smem:$0x3F99];
	s0 =	simm.s32 @p0 $0x1  }
0x13: {  	[smem:$0x3FB4] =	sst s0;
	s0 =	simm.s32 @!p1 $0x0  }
0x14: {  	s2 =	sld [smem:$0x3F98];
	s0 =	simm.s32 @p1 $0x1  }
0x15: {  	[smem:$0x3FB5] =	sst s0;
	s0 =	simm.s32 @!p2 $0x0  }
0x16: {  	s3 =	sld [smem:$0x3FDB];
	s0 =	simm.s32 @p2 $0x1  }
0x17: {  	s4 =	simm.s32 $0x1BF5;
	[smem:$0x3FB7] =	sst s0  }
0x18: {  	s0 =	sld [smem:$0x3F9A];
	_ =	swait.ge [sflag:s4], $0x0  }
0x19: {  	s7 =	sld [smem:$0x3F9B]  }
0x1a: {  	s8 =	sadd.s32 $0xFFFFE003, lr  }
0x1b: {  	s9 =	sadd.s32 $0xFFFFFEF7, lr;
	s5 =	simm.s32 $0xFFFFFFFF;
	p2 =	slt.u32 s8, $0xFFFFF086  }
0x1c: {  	p1 =	slt.u32 s9, $0xF7A;
	s5 =	simm.s32 @!p2 $0x0  }
0x1d: {  	s5 =	simm.s32 @p1 $0x1;
	p0 =	seq.s32 s7, s2  }
0x1e: {  	s7 =	smul.u32 @!p0 $0xF7A, s2;
	p2 =	seq.s32 @!p0 s5, $0x0  }
0x1f: {  	s9 =	smul.u32 $0xF7A, s1;
	s8 =	simm.s32 @!p0 $0x1BF5;
	p2 =	por !p2, p0  }
0x20: {  	[sflag:s8] =	ssyncset.s32 @!p0 $0xFFFFF086;
	s6 =	sadd.s32 @!p0 s3, s7;
	s7 =	simm.s32 @!p0 $0x108  }
0x21: {  	s3 =	sadd.s32 s3, s9;
	s6 =	sadd.s32 @!p0 $0x88, s6;
	s7 =	simm.s32 @p2 $0x1082  }
0x22: {  	[simem:s7], [sflag:s8] =	dma.local @!p0 [hbm:s6], $0xF7A  }
0x23: {  	s9 =	sor.u32 $0xD0000000, s2;
	s6 =	simm.s32 $0x108;
	_ =	swait.ge @!p0 [sflag:s8], $0x0  }
0x24: {  	s3 =	sadd.s32 $0x88, s3;
	s6 =	simm.s32 @!p1 $0x1082;
	[sflag:s4] =	ssyncset.s32 $0xFFFFF086  }
0x25: {  	[simem:s6], [sflag:s4] =	dma.local [hbm:s3], $0xF7A  }
0x26: {  	[smem:$0x3F9B] =	sst s1;
	(tag) =	ssettag s2;
	_ =	strace s9  }
0x27: {  	s1 =	sld [smem:$0x3FAB]  }
0x28: {  	s2 =	sld [smem:$0x3FAC]  }
0x29: {  	s4 =	sld [smem:$0x3FAE]  }
0x2a: {  	p0 =	seq.s32 s5, $0x0;
	s5 =	sld [smem:$0x3FAF]  }
0x2b: {  	s6 =	sld [smem:$0x3FB0]  }
0x2c: {  	s7 =	sld [smem:$0x3FB1]  }
0x2d: {  	s3 =	simm.s32 $0x108;
	s8 =	sld [smem:$0x3FB2]  }
0x2e: {  	s3 =	simm.s32 @!p0 $0x1082;
	s9 =	sld [smem:$0x3FB3]  }
0x2f: {  	lr =	sadd.s32 s0, s3;
	s0 =	sld [smem:$0x3FAA]  }
0x30: {  	s3 =	sld [smem:$0x3FAD]  }
0x31: {  	[smem:$0x3FB6] =	sst s10  }
0x32: {  	s10 =	sld [smem:$0x3FB4];
	_ =	sdelay $0x3  }
0x33: {  	p0 =	seq.s32 s10, $0x1;
	s10 =	sld [smem:$0x3FB6];
	_ =	sdelay $0x3  }
0x34: {  	[smem:$0x3FB6] =	sst s10  }
0x35: {  	s10 =	sld [smem:$0x3FB5];
	_ =	sdelay $0x3  }
0x36: {  	p1 =	seq.s32 s10, $0x1;
	s10 =	sld [smem:$0x3FB6];
	_ =	sdelay $0x3  }
0x37: {  	[smem:$0x3FB6] =	sst s10  }
0x38: {  	s10 =	sld [smem:$0x3FB7]  }
0x39: {  	_ = 	snop;
	(pc) =	sbr.ind lr, $3  }
0x3a: {  	_ = 	snop  }
0x3b: {  	_ = 	snop  }
0x3c: {  	p2 =	seq.s32 s10, $0x1;
	s10 =	sld [smem:$0x3FB6]  }
0x3d: {  	_ =	shalt  }
0x3e: {  	_ =	shalt  }
0x3f: {  	_ =	shalt  }
0x40: {  	_ =	shalt  }
0x41: {  	_ =	shalt  }
0x42: {  	_ =	shalt  }
0x43: {  	_ =	shalt  }
0x44: {  	_ =	shalt  }
0x45: {  	_ =	shalt  }
0x46: {  	_ =	shalt  }
0x47: {  	_ =	shalt  }
0x48: {  	_ =	shalt  }
0x49: {  	_ =	shalt  }
0x4a: {  	_ =	shalt  }
0x4b: {  	_ =	shalt  }
0x4c: {  	_ =	shalt  }
0x4d: {  	_ =	shalt  }
0x4e: {  	_ =	shalt  }
0x4f: {  	_ =	shalt  }
0x50: {  	_ =	shalt  }
0x51: {  	_ =	shalt  }
0x52: {  	_ =	shalt  }
0x53: {  	_ =	shalt  }
0x54: {  	_ =	shalt  }
0x55: {  	_ =	shalt  }
0x56: {  	_ =	shalt  }
0x57: {  	_ =	shalt  }
0x58: {  	_ =	shalt  }
0x59: {  	_ =	shalt  }
0x5a: {  	_ =	shalt  }
0x5b: {  	_ =	shalt  }
0x5c: {  	_ =	shalt  }
0x5d: {  	_ =	shalt  }
0x5e: {  	_ =	shalt  }
0x5f: {  	_ =	shalt  }
0x60: {  	_ =	shalt  }
0x61: {  	_ =	shalt  }
0x62: {  	_ =	shalt  }
0x63: {  	_ =	shalt  }
0x64: {  	_ =	shalt  }
0x65: {  	_ =	shalt  }
0x66: {  	_ =	shalt  }
0x67: {  	_ =	shalt  }
0x68: {  	_ =	shalt  }
0x69: {  	_ =	shalt  }
0x6a: {  	_ =	shalt  }
0x6b: {  	_ =	shalt  }
0x6c: {  	_ =	shalt  }
0x6d: {  	_ =	shalt  }
0x6e: {  	_ =	shalt  }
0x6f: {  	_ =	shalt  }
0x70: {  	_ =	shalt  }
0x71: {  	_ =	shalt  }
0x72: {  	_ =	shalt  }
0x73: {  	_ =	shalt  }
0x74: {  	_ =	shalt  }
0x75: {  	_ =	shalt  }
0x76: {  	_ =	shalt  }
0x77: {  	_ =	shalt  }
0x78: {  	_ =	shalt  }
0x79: {  	_ =	shalt  }
0x7a: {  	_ =	shalt  }
0x7b: {  	_ =	shalt  }
0x7c: {  	_ =	shalt  }
0x7d: {  	_ =	shalt  }
0x7e: {  	_ =	shalt  }
0x7f: {  	_ =	shalt  }
0x80: {  	_ =	shalt  }
0x81: {  	_ =	shalt  }
0x82: {  	_ =	shalt  }
0x83: {  	_ =	shalt  }
0x84: {  	_ =	shalt  }
0x85: {  	_ =	shalt  }
0x86: {  	_ =	shalt  }
0x87: {  	_ =	shalt  }
.Lfunc_end0:
.L_simem_size_0:
called_computation.1_lowered:
.L_overlay_start_0:
0x88: {  	s2 =	sld [smem:$0x3FD9]  }
0x89: {  	s3 =	sld [smem:$0x3FFE];
	_ =	sdelay $0x1  }
0x8a: {  	s1 =	srdreg.scid  }
0x8b: {  	s0 =	sand.u32 $0x1, s1  }
0x8c: {  	s16 =	sshll.u32 s0, $0xA;
	s2 =	sadd.s32 s3, s2  }
0x8d: {  	s2 =	sadd.s32 s2, s16  }
0x8e: {  	[smem:$0x3FC2] =	sst s2  }
0x8f: {  	_ = 	snop  }
0x90: {  	(tm) =	ssettm $0x1  }
0x91: {  	s17 =	sld [smem:$0x3FFB];
	_ =	sdelay $0x3  }
0x92: {  	_ =	strace s17  }
0x93: {  	s2 =	sld [smem:$0x3FFC];
	_ =	sdelay $0x3  }
0x94: {  	_ =	strace s2  }
0x95: {  	s2 =	sld [smem:$0x3FFD];
	_ =	sdelay $0x3  }
0x96: {  	_ =	strace s2  }
0x97: {  	_ =	strace $0x8FFFFFFF  }
0x98: {  	s18 =	sld [smem:$0x3FDB];
	_ =	sdelay $0x1  }
0x99: {  	s19 =	simm.s32 $_scs_section_size  }
0x9a: {  	s4 =	simm.s32 $_size__tile_overlayer_lowered;
	s5 =	simm.s32 $_tile_overlayer_lowered  }
0x9b: {  	s22 =	simm.s32 $0x1BFF;
	s21 =	sshll.u32 s5, $0x1;
	s2 =	sadd.s32 s19, s18  }
0x9c: {  	s6 =	simm.s32 $0x0;
	s20 =	sshll.u32 s4, $0x1;
	s4 =	sadd.s32 s21, s2  }
0x9d: {  	[timem:s6], [sflag:s22] =	dma.local [hbm:s4], s20  }
0x9e: {  	_ =	swait.ge [sflag:s22], s20  }
0x9f: {  	s3 =	ssub.s32 $0x0, s20;
	[sflag:s22] =	ssyncset.done $0x0  }
0xa0: {  	[sflag:s22] =	ssyncadd.s32 s3;
	_ =	sdelay $0x1  }
0xa1: {  	s23 =	simm.s32 $0x1B8B  }
0xa2: {  	_ =	swait.ge [sflag:s23], $0x1  }
0xa3: {  	[sflag:s23] =	ssyncset.done $0x0  }
0xa4: {  	s25 =	simm.s32 $0x1B8E;
	s24 =	sld [smem:$0x3FFE];
	[sflag:s23] =	ssyncadd.s32 $0xFFFFFFFF  }
0xa5: {  	s26 =	simm.s32 $execute0_lowered;
	[smem:$0x3FD2] =	sst s25  }
0xa6: {  	s4 =	sshll.u32 s26, $0x1;
	_ =	strace $0x80000049;
	[dreg:$0x1] =	wrdreg $0xFFFFFFFF  }
0xa7: {  	s28 =	simm.s32 $_size_execute0_lowered;
	s2 =	sadd.s32 s2, s4;
	[dreg:$0x0] =	wrdreg $0x0  }
0xa8: {  	s4 =	sshll.u32 s28, $0x1;
	[dreg:$0x2] =	wrdreg s2  }
0xa9: {  	[dreg:$0x3] =	wrdreg s4  }
0xaa: {  	[dreg:$0x4] =	wrdreg $0xC0  }
0xab: {  	_ =	task [dreg:s6], $0x5FFFF  }
0xac: {  	[dreg:$0x1] =	wrdreg $0xFFFFFFFF  }
0xad: {  	[dreg:$0x0] =	wrdreg $0x60  }
0xae: {  	[dreg:$0x2] =	wrdreg s24  }
0xaf: {  	[dreg:$0x3] =	wrdreg $0x0  }
0xb0: {  	[dreg:$0x4] =	wrdreg $0x9  }
0xb1: {  	_ =	task.clear_ibuf [dreg:s6], $0x5FFFF;
	_ =	strace $0x90000049  }
0xb2: {  	s29 =	simm.s32 $0x9;
	_ =	strace $0x8000004B  }
0xb3: {  	_ =	swait.ge [sflag:s29], $0x1  }
0xb4: {  	[sflag:s29] =	ssyncadd.s32 $0xFFFFFFFF  }
0xb5: {  	_ =	strace $0x9000004B  }
0xb6: {  	_ =	sfence  }
0xb7: {  	s30 =	sld [smem:$0x0];
	_ =	sdelay $0x2  }
0xb8: {  	s31 =	sshll.u32 s1, $0xD;
	s1 =	sshrl.u32 s1, $0x2  }
0xb9: {  	s3 =	sand.u32 $0x4000, s31;
	s1 =	sadd.s32 s1, s30  }
0xba: {  	s0 =	sor.u32 s3, s0;
	s1 =	sshll.u32 s1, $0x11  }
0xbb: {  	s0 =	sor.u32 s1, s0  }
0xbc: {  	s0 =	sadd.s32 $0x8F2B, s0  }
0xbd: {  	[sflag:s0] =	ssyncadd.remote.s32 $0x1  }
0xbe: {  	_ =	sfence.sel $0xFFFF  }
0xbf: {  	[dreg:$0x0] =	wrdreg $0xFFFFFFFF;
	(pc) =	sbr.abs _section_cstart, $3  }
0xc0: {  	[dreg:$0x1] =	wrdreg $0xFFFFFFFF  }
0xc1: {  	_ =	task.clear_ibuf [dreg:s6], $0x2FFFF;
	_ =	strace $0x9FFFFFFF  }
0xc2: {  	(tm) =	ssettm $0x7FFFFFFF  }
0xc3: {  	_ =	shalt  }
tec
execute0_lowered:
.L_overlay_start_1:
0x0: {  	(tag) =	ssettag $0x1  }
0x1: {  	s1 =	srdreg.scid  }
0x2: {  	s0 =	stileid.u32;
	s6 =	rddreg [dreg:$0x0]  }
0x3: {  	s2 =	rddreg [dreg:$0x1];
	s3 =	simm.s32 $0x0;
	s14 =	simm.s32 $0x19000  }
0x4: {  	s15 =	simm.s32 $0x2;
	s16 =	simm.s32 $0x14000;
	s17 =	simm.s32 $0x16800  }
0x5: {  	s18 =	simm.s32 $0x80;
	s19 =	simm.s32 $0x1;
	s5 =	sand.u32 $0x1, s1  }
0x6: {  	s26 =	sshll.u32 s0, $0x1;
	[smem:$0x7FF] =	sst s3;
	s9 =	smul.u32 $0x14000, s0  }
0x7: {  	s10 =	smul.u32 $0x50000, s0;
	s4 =	sadd.s32 $0x65600, s6;
	s20 =	sshll.u32 s0, $0x6  }
0x8: {  	s1 =	sor.u32 s5, s26;
	s8 =	smul.u32 $0x140000, s5;
	s29 =	ssub.s32 $0x2, s5  }
0x9: {  	s20 =	sor.u32 $0x1C02, s20;
	s7 =	smul.u32 $0x500, s1;
	s1 =	rddreg [dreg:$0x2]  }
0xa: {  	_ =	strace $0x8000004A;
	s30 =	sshrl.u32 s10, $0x2;
	s31 =	sshrl.u32 s29, $0x1  }
0xb: {  	s28 =	sadd.s32 s9, s8;
	s5 =	sadd.s32 s30, s2;
	s13 =	ssub.s32 s29, s31  }
0xc: {  	s11 =	sadd.s32 s7, s6;
	s7 =	sshrl.u32 s28, $0x3;
	s8 =	sadd.s32 $0xC000, s5  }
0xd: {  	s9 =	sadd.s32 $0x10000, s5;
	s13 =	smax.u32 s13, $0x1;
	s21 =	sshrl.u32 s5, $0x3  }
0xe: {  	s12 =	sadd.s32 s7, s6;
	s6 =	sadd.s32 $0x4000, s5;
	s7 =	sadd.s32 $0x8000, s5  }
0xf: {  	v0 =	vimm.f32 $0.0e+00;
	s10 =	sadd.s32 $0x1600, s11;
	s11 =	sadd.s32 $0x5B600, s11;
	s12 =	sadd.s32 $0x8C800, s12  }
.LBB2_1:
0x10: {  	s22 =	simm.s32 $0x0;
	s23 =	simm.s32 $0x200  }
.LBB2_2:
0x11: {  	p0 =	sne.s32 s23, $0xFE00;
	[tilespmem:s22+$0x19070] =	vst v0  }
0x12: {  	[tilespmem:s22+$0x19000] =	vst v0  }
0x13: {  	[tilespmem:s22+$0x19010] =	vst v0  }
.Ltmp0:
0x14: {  	[tilespmem:s22+$0x19020] =	vst v0;
	(pc) =	sbr.rel @p0 .LBB2_2-.Ltmp0, $4  }
0x15: {  	[tilespmem:s22+$0x19030] =	vst v0  }
0x16: {  	[tilespmem:s22+$0x19040] =	vst v0  }
0x17: {  	[tilespmem:s22+$0x19050] =	vst v0  }
0x18: {  	[tilespmem:s22+$0x19060] =	vst v0;
	s22 =	sshra.s32 s23, $0x2;
	s23 =	sadd.s32 $0x200, s23  }
0x19: {  	[tilespmem:s22+$0x19070] =	vst v0  }
0x1a: {  	[tilespmem:s22+$0x19000] =	vst v0  }
0x1b: {  	[tilespmem:s22+$0x19010] =	vst v0  }
0x1c: {  	[tilespmem:s22+$0x19020] =	vst v0  }
0x1d: {  	[tilespmem:s22+$0x19030] =	vst v0  }
0x1e: {  	[tilespmem:s22+$0x19040] =	vst v0  }
0x1f: {  	[tilespmem:s22+$0x19050] =	vst v0  }
0x20: {  	[tilespmem:s22+$0x19060] =	vst v0  }
0x21: {  	[spmem:s5] =	stream.linear.scatter [tilespmem:s14], [sflag:$0x2], $0x4000, $0x38;
	[tilespmem:$0x1D000] =	vst v63  }
0x22: {  	_ =	swait.ge [sflag:s15], $0x4000  }
0x23: {  	[sflag:s15] =	ssyncset.done $0x0  }
0x24: {  	[sflag:s15] =	ssyncadd.s32 $0xFFFFC000  }
0x25: {  	[spmem:s6] =	stream.linear.scatter [tilespmem:s14], [sflag:$0x2], $0x4000, $0x38;
	[tilespmem:$0x1D000] =	vst v63  }
0x26: {  	_ =	swait.ge [sflag:s15], $0x4000  }
0x27: {  	[sflag:s15] =	ssyncset.done $0x0  }
0x28: {  	[sflag:s15] =	ssyncadd.s32 $0xFFFFC000  }
0x29: {  	[spmem:s7] =	stream.linear.scatter [tilespmem:s14], [sflag:$0x2], $0x4000, $0x38;
	[tilespmem:$0x1D000] =	vst v63  }
0x2a: {  	_ =	swait.ge [sflag:s15], $0x4000  }
0x2b: {  	[sflag:s15] =	ssyncset.done $0x0  }
0x2c: {  	[sflag:s15] =	ssyncadd.s32 $0xFFFFC000  }
0x2d: {  	[spmem:s8] =	stream.linear.scatter [tilespmem:s14], [sflag:$0x2], $0x4000, $0x38;
	[tilespmem:$0x1D000] =	vst v63  }
0x2e: {  	_ =	swait.ge [sflag:s15], $0x4000  }
0x2f: {  	[sflag:s15] =	ssyncset.done $0x0  }
0x30: {  	[sflag:s15] =	ssyncadd.s32 $0xFFFFC000  }
0x31: {  	[spmem:s9] =	stream.linear.scatter [tilespmem:s14], [sflag:$0x2], $0x4000, $0x38;
	[tilespmem:$0x1D000] =	vst v63  }
0x32: {  	_ =	swait.ge [sflag:s15], $0x4000  }
0x33: {  	[sflag:s15] =	ssyncset.done $0x0  }
0x34: {  	s29 =	simm.s32 $0x0;
	[sflag:s15] =	ssyncadd.s32 $0xFFFFC000  }
0x35: {  	[tilespmem:s16], [sflag:$0x2] =	stream.linear.gather [hbm4b:s10+s29], $0x2780, $0x38;
	[tilespmem:$0x1D000] =	vst v63  }
0x36: {  	_ =	swait.ge [sflag:s15], $0x2780  }
0x37: {  	[sflag:s15] =	ssyncset.done $0x0  }
0x38: {  	[sflag:s15] =	ssyncadd.s32 $0xFFFFD880  }
0x39: {  	[tilespmem:s17], [sflag:$0x2] =	stream.linear.gather [hbm4b:s11+s29], $0x2780, $0x38;
	[tilespmem:$0x1D000] =	vst v63  }
0x3a: {  	_ =	swait.ge [sflag:s15], $0x2780  }
0x3b: {  	[sflag:s15] =	ssyncset.done $0x0  }
0x3c: {  	[sflag:s15] =	ssyncadd.s32 $0xFFFFD880  }
0x3d: {  	s30 =	simm.s32 $0x16800;
	[bflag:$0x0] =	sbarrier.arrive $0xFFFF  }
0x3e: {  	[tilespmem:s14], [sflag:$0x1] =	stream.indirect.gather [hbm4b:s4+s18], $0x80, s30, s18, $0xb8;
	[tilespmem:$0x1D000] =	vst v63  }
0x3f: {  	_ =	swait.ge [sflag:s19], $0x4000  }
0x40: {  	[sflag:s19] =	ssyncset.done $0x0  }
0x41: {  	s31 =	simm.s32 $0x14000;
	[sflag:s19] =	ssyncadd.s32 $0xFFFFC000  }
0x42: {  	[spmem:s2] =	stream.indirect.scatter.add.f32 [tilespmem:s14], [sflag:$0x2], $0x80, s31, s18, $0xb8;
	[tilespmem:$0x1D000] =	vst v63  }
0x43: {  	_ =	swait.ge [sflag:s15], $0x4000  }
0x44: {  	s23 =	simm.s32 $0x400;
	s22 =	simm.s32 $0x80;
	[sflag:s15] =	ssyncset.done $0x0  }
.LBB2_4:
0x45: {  	s24 =	sadd.s32 $0x16800, s22  }
0x46: {  	[sflag:s15] =	ssyncadd.s32 $0xFFFFC000;
	s25 =	smov.u32 s23;
	s26 =	sadd.s32 $0x200, s23  }
0x47: {  	[tilespmem:s14], [sflag:$0x1] =	stream.indirect.gather [hbm4b:s4+s18], $0x80, s24, s18, $0xb8;
	[tilespmem:$0x1D000] =	vst v63  }
0x48: {  	p0 =	sne.s32 s23, $0x9C00;
	_ =	swait.ge [sflag:s19], $0x4000  }
.Ltmp1:
0x49: {  	[sflag:s19] =	ssyncset.done $0x0;
	(pc) =	sbr.rel @p0 .LBB2_4-.Ltmp1, $4  }
0x4a: {  	s22 =	sadd.s32 $0x14000, s22;
	[sflag:s19] =	ssyncadd.s32 $0xFFFFC000  }
0x4b: {  	[spmem:s2] =	stream.indirect.scatter.add.f32 [tilespmem:s14], [sflag:$0x2], $0x80, s22, s18, $0xb8;
	[tilespmem:$0x1D000] =	vst v63  }
0x4c: {  	_ =	swait.ge [sflag:s15], $0x4000  }
0x4d: {  	s23 =	smov.u32 s26;
	s22 =	sshra.s32 s25, $0x2;
	[sflag:s15] =	ssyncset.done $0x0  }
0x4e: {  	s23 =	sadd.s32 $0x16800, s22;
	[sflag:s15] =	ssyncadd.s32 $0xFFFFC000  }
0x4f: {  	[tilespmem:s14], [sflag:$0x1] =	stream.indirect.gather [hbm4b:s4+s18], $0x80, s23, s18, $0xb8;
	[tilespmem:$0x1D000] =	vst v63  }
0x50: {  	_ =	swait.ge [sflag:s19], $0x4000  }
0x51: {  	[sflag:s19] =	ssyncset.done $0x0  }
0x52: {  	s31 =	sadd.s32 $0x14000, s22;
	[sflag:s19] =	ssyncadd.s32 $0xFFFFC000  }
0x53: {  	[spmem:s2] =	stream.indirect.scatter.add.f32 [tilespmem:s14], [sflag:$0x2], $0x80, s31, s18, $0xb8;
	[tilespmem:$0x1D000] =	vst v63  }
0x54: {  	_ =	swait.ge [sflag:s15], $0x4000  }
0x55: {  	s3 =	sadd.s32 $0x1, s3;
	[sflag:s15] =	ssyncset.done $0x0  }
0x56: {  	p0 =	sne.s32 s3, s13;
	[sflag:s15] =	ssyncadd.s32 $0xFFFFC000  }
.Ltmp2:
0x57: {  	[bflag:$0x0] =	sbarrier.arrive $0xFFFF;
	(pc) =	sbr.rel @p0 .LBB2_1-.Ltmp2, $4  }
0x58: {  	[hbm:s12], [sflag:s20] =	dma.local [spmem:s21], $0x2800  }
0x59: {  	_ =	swait.ge [sflag:s15], $0x2800  }
0x5a: {  	[sflag:s15] =	ssyncset.done $0x0  }
0x5b: {  	[sflag:s15] =	ssyncadd.s32 $0xFFFFD800  }
0x5c: {  	_ =	sfence.sel $0x180000  }
0x5d: {  	[bflag:$0x0] =	sbarrier.arrive $0xFFFF  }
0x5e: {  	p0 =	sne.s32 s0, $0x0;
	_ =	strace $0x9000004A  }
0x5f: {  	s0 =	sadd.s32 @!p0 $0x100000, s1;
	[bflag:$0x2] =	sbarrier.arrive $0xFFFF  }
0x60: {  	[sflag:s0] =	ssyncadd.tile.s32 @!p0 $0x1;
	_ =	shalt  }
.Lfunc_end2:
_tile_overlayer_lowered:
.L_overlay_start_2:
0x61: {  	(tag) =	ssettag $0x2  }
0x62: {  	s0 =	rddreg [dreg:$0x0];
	s2 =	stileid.u32  }
0x63: {  	s1 =	rddreg [dreg:$0x1];
	p0 =	sne.s32 s2, $0x0  }
0x64: {  	s3 =	rddreg [dreg:$0x2];
	[bflag:$0x3] =	sbarrier.arrive $0xFFFF;
	s2 =	simm.s32 @!p0 $0x1C02  }
0x65: {  	[timem:s3], [sflag:s2] =	dma.local @!p0 [hbm:s0], s1  }
0x66: {  	s0 =	simm.s32 @!p0 $0x2  }
0x67: {  	_ =	swait.ge @!p0 [sflag:s0], s1  }
0x68: {  	s1 =	ssub.s32 @!p0 $0x0, s1;
	[sflag:s0] =	ssyncset.done @!p0 $0x0  }
0x69: {  	[sflag:s0] =	ssyncadd.s32 @!p0 s1  }
0x6a: {  	[bflag:$0x3] =	sbarrier.arrive $0xFFFF  }
0x6b: {  	_ =	shalt  }

// kernel: kernel.13.cloned.1.call-start
scs
__scs_entry_jumppad:
0x0: {  	(pc) =	sbr.rel $0x88, $3  }
0x1: {  	(tag) =	ssettag $0x0;
	lr =	simm.s32 $0x1  }
0x2: {  	[smem:$0x3F9B] =	sst lr;
	_ =	strace $0xD0000000  }
0x3: {  	_ = 	snop  }
0x4: {  	_ = 	snop  }
0x5: {  	_ = 	snop  }
0x6: {  	_ = 	snop  }
0x7: {  	_ = 	snop  }
__scs_overlays_trampoline_lowered:
0x8: {  	[smem:$0x3FAA] =	sst s0  }
0x9: {  	[smem:$0x3FAB] =	sst s1  }
0xa: {  	[smem:$0x3FAC] =	sst s2  }
0xb: {  	[smem:$0x3FAD] =	sst s3  }
0xc: {  	[smem:$0x3FAE] =	sst s4  }
0xd: {  	[smem:$0x3FAF] =	sst s5  }
0xe: {  	[smem:$0x3FB0] =	sst s6  }
0xf: {  	[smem:$0x3FB1] =	sst s7  }
0x10: {  	[smem:$0x3FB2] =	sst s8  }
0x11: {  	[smem:$0x3FB3] =	sst s9;
	s0 =	simm.s32 @!p0 $0x0  }
0x12: {  	s1 =	sld [smem:$0x3F99];
	s0 =	simm.s32 @p0 $0x1  }
0x13: {  	[smem:$0x3FB4] =	sst s0;
	s0 =	simm.s32 @!p1 $0x0  }
0x14: {  	s2 =	sld [smem:$0x3F98];
	s0 =	simm.s32 @p1 $0x1  }
0x15: {  	[smem:$0x3FB5] =	sst s0;
	s0 =	simm.s32 @!p2 $0x0  }
0x16: {  	s3 =	sld [smem:$0x3FDB];
	s0 =	simm.s32 @p2 $0x1  }
0x17: {  	s4 =	simm.s32 $0x1BF5;
	[smem:$0x3FB7] =	sst s0  }
0x18: {  	s0 =	sld [smem:$0x3F9A];
	_ =	swait.ge [sflag:s4], $0x0  }
0x19: {  	s7 =	sld [smem:$0x3F9B]  }
0x1a: {  	s8 =	sadd.s32 $0xFFFFE003, lr  }
0x1b: {  	s9 =	sadd.s32 $0xFFFFFEF7, lr;
	s5 =	simm.s32 $0xFFFFFFFF;
	p2 =	slt.u32 s8, $0xFFFFF086  }
0x1c: {  	p1 =	slt.u32 s9, $0xF7A;
	s5 =	simm.s32 @!p2 $0x0  }
0x1d: {  	s5 =	simm.s32 @p1 $0x1;
	p0 =	seq.s32 s7, s2  }
0x1e: {  	s7 =	smul.u32 @!p0 $0xF7A, s2;
	p2 =	seq.s32 @!p0 s5, $0x0  }
0x1f: {  	s9 =	smul.u32 $0xF7A, s1;
	s8 =	simm.s32 @!p0 $0x1BF5;
	p2 =	por !p2, p0  }
0x20: {  	[sflag:s8] =	ssyncset.s32 @!p0 $0xFFFFF086;
	s6 =	sadd.s32 @!p0 s3, s7;
	s7 =	simm.s32 @!p0 $0x108  }
0x21: {  	s3 =	sadd.s32 s3, s9;
	s6 =	sadd.s32 @!p0 $0x88, s6;
	s7 =	simm.s32 @p2 $0x1082  }
0x22: {  	[simem:s7], [sflag:s8] =	dma.local @!p0 [hbm:s6], $0xF7A  }
0x23: {  	s9 =	sor.u32 $0xD0000000, s2;
	s6 =	simm.s32 $0x108;
	_ =	swait.ge @!p0 [sflag:s8], $0x0  }
0x24: {  	s3 =	sadd.s32 $0x88, s3;
	s6 =	simm.s32 @!p1 $0x1082;
	[sflag:s4] =	ssyncset.s32 $0xFFFFF086  }
0x25: {  	[simem:s6], [sflag:s4] =	dma.local [hbm:s3], $0xF7A  }
0x26: {  	[smem:$0x3F9B] =	sst s1;
	(tag) =	ssettag s2;
	_ =	strace s9  }
0x27: {  	s1 =	sld [smem:$0x3FAB]  }
0x28: {  	s2 =	sld [smem:$0x3FAC]  }
0x29: {  	s4 =	sld [smem:$0x3FAE]  }
0x2a: {  	p0 =	seq.s32 s5, $0x0;
	s5 =	sld [smem:$0x3FAF]  }
0x2b: {  	s6 =	sld [smem:$0x3FB0]  }
0x2c: {  	s7 =	sld [smem:$0x3FB1]  }
0x2d: {  	s3 =	simm.s32 $0x108;
	s8 =	sld [smem:$0x3FB2]  }
0x2e: {  	s3 =	simm.s32 @!p0 $0x1082;
	s9 =	sld [smem:$0x3FB3]  }
0x2f: {  	lr =	sadd.s32 s0, s3;
	s0 =	sld [smem:$0x3FAA]  }
0x30: {  	s3 =	sld [smem:$0x3FAD]  }
0x31: {  	[smem:$0x3FB6] =	sst s10  }
0x32: {  	s10 =	sld [smem:$0x3FB4];
	_ =	sdelay $0x3  }
0x33: {  	p0 =	seq.s32 s10, $0x1;
	s10 =	sld [smem:$0x3FB6];
	_ =	sdelay $0x3  }
0x34: {  	[smem:$0x3FB6] =	sst s10  }
0x35: {  	s10 =	sld [smem:$0x3FB5];
	_ =	sdelay $0x3  }
0x36: {  	p1 =	seq.s32 s10, $0x1;
	s10 =	sld [smem:$0x3FB6];
	_ =	sdelay $0x3  }
0x37: {  	[smem:$0x3FB6] =	sst s10  }
0x38: {  	s10 =	sld [smem:$0x3FB7]  }
0x39: {  	_ = 	snop;
	(pc) =	sbr.ind lr, $3  }
0x3a: {  	_ = 	snop  }
0x3b: {  	_ = 	snop  }
0x3c: {  	p2 =	seq.s32 s10, $0x1;
	s10 =	sld [smem:$0x3FB6]  }
0x3d: {  	_ =	shalt  }
0x3e: {  	_ =	shalt  }
0x3f: {  	_ =	shalt  }
0x40: {  	_ =	shalt  }
0x41: {  	_ =	shalt  }
0x42: {  	_ =	shalt  }
0x43: {  	_ =	shalt  }
0x44: {  	_ =	shalt  }
0x45: {  	_ =	shalt  }
0x46: {  	_ =	shalt  }
0x47: {  	_ =	shalt  }
0x48: {  	_ =	shalt  }
0x49: {  	_ =	shalt  }
0x4a: {  	_ =	shalt  }
0x4b: {  	_ =	shalt  }
0x4c: {  	_ =	shalt  }
0x4d: {  	_ =	shalt  }
0x4e: {  	_ =	shalt  }
0x4f: {  	_ =	shalt  }
0x50: {  	_ =	shalt  }
0x51: {  	_ =	shalt  }
0x52: {  	_ =	shalt  }
0x53: {  	_ =	shalt  }
0x54: {  	_ =	shalt  }
0x55: {  	_ =	shalt  }
0x56: {  	_ =	shalt  }
0x57: {  	_ =	shalt  }
0x58: {  	_ =	shalt  }
0x59: {  	_ =	shalt  }
0x5a: {  	_ =	shalt  }
0x5b: {  	_ =	shalt  }
0x5c: {  	_ =	shalt  }
0x5d: {  	_ =	shalt  }
0x5e: {  	_ =	shalt  }
0x5f: {  	_ =	shalt  }
0x60: {  	_ =	shalt  }
0x61: {  	_ =	shalt  }
0x62: {  	_ =	shalt  }
0x63: {  	_ =	shalt  }
0x64: {  	_ =	shalt  }
0x65: {  	_ =	shalt  }
0x66: {  	_ =	shalt  }
0x67: {  	_ =	shalt  }
0x68: {  	_ =	shalt  }
0x69: {  	_ =	shalt  }
0x6a: {  	_ =	shalt  }
0x6b: {  	_ =	shalt  }
0x6c: {  	_ =	shalt  }
0x6d: {  	_ =	shalt  }
0x6e: {  	_ =	shalt  }
0x6f: {  	_ =	shalt  }
0x70: {  	_ =	shalt  }
0x71: {  	_ =	shalt  }
0x72: {  	_ =	shalt  }
0x73: {  	_ =	shalt  }
0x74: {  	_ =	shalt  }
0x75: {  	_ =	shalt  }
0x76: {  	_ =	shalt  }
0x77: {  	_ =	shalt  }
0x78: {  	_ =	shalt  }
0x79: {  	_ =	shalt  }
0x7a: {  	_ =	shalt  }
0x7b: {  	_ =	shalt  }
0x7c: {  	_ =	shalt  }
0x7d: {  	_ =	shalt  }
0x7e: {  	_ =	shalt  }
0x7f: {  	_ =	shalt  }
0x80: {  	_ =	shalt  }
0x81: {  	_ =	shalt  }
0x82: {  	_ =	shalt  }
0x83: {  	_ =	shalt  }
0x84: {  	_ =	shalt  }
0x85: {  	_ =	shalt  }
0x86: {  	_ =	shalt  }
0x87: {  	_ =	shalt  }
.Lfunc_end0:
.L_simem_size_0:
called_computation.2_lowered:
.L_overlay_start_0:
0x88: {  	s2 =	sld [smem:$0x3FD9]  }
0x89: {  	s3 =	sld [smem:$0x3FFE];
	_ =	sdelay $0x1  }
0x8a: {  	s1 =	srdreg.scid  }
0x8b: {  	s0 =	sand.u32 $0x1, s1  }
0x8c: {  	s16 =	sshll.u32 s0, $0xA;
	s2 =	sadd.s32 s3, s2  }
0x8d: {  	s2 =	sadd.s32 s2, s16  }
0x8e: {  	[smem:$0x3FC2] =	sst s2  }
0x8f: {  	_ = 	snop  }
0x90: {  	(tm) =	ssettm $0x1  }
0x91: {  	s17 =	sld [smem:$0x3FFB];
	_ =	sdelay $0x3  }
0x92: {  	_ =	strace s17  }
0x93: {  	s2 =	sld [smem:$0x3FFC];
	_ =	sdelay $0x3  }
0x94: {  	_ =	strace s2  }
0x95: {  	s2 =	sld [smem:$0x3FFD];
	_ =	sdelay $0x3  }
0x96: {  	_ =	strace s2  }
0x97: {  	_ =	strace $0x8FFFFFFF  }
0x98: {  	s18 =	sld [smem:$0x3FDB];
	_ =	sdelay $0x1  }
0x99: {  	s19 =	simm.s32 $_scs_section_size  }
0x9a: {  	s4 =	simm.s32 $_size__tile_overlayer_lowered;
	s5 =	simm.s32 $_tile_overlayer_lowered  }
0x9b: {  	s22 =	simm.s32 $0x1BFF;
	s21 =	sshll.u32 s5, $0x1;
	s2 =	sadd.s32 s19, s18  }
0x9c: {  	s6 =	simm.s32 $0x0;
	s20 =	sshll.u32 s4, $0x1;
	s4 =	sadd.s32 s21, s2  }
0x9d: {  	[timem:s6], [sflag:s22] =	dma.local [hbm:s4], s20  }
0x9e: {  	_ =	swait.ge [sflag:s22], s20  }
0x9f: {  	s3 =	ssub.s32 $0x0, s20;
	[sflag:s22] =	ssyncset.done $0x0  }
0xa0: {  	[sflag:s22] =	ssyncadd.s32 s3;
	_ =	sdelay $0x1  }
0xa1: {  	s23 =	simm.s32 $0x1B8B  }
0xa2: {  	_ =	swait.ge [sflag:s23], $0x1  }
0xa3: {  	[sflag:s23] =	ssyncset.done $0x0  }
0xa4: {  	s25 =	simm.s32 $0x1B8E;
	s24 =	sld [smem:$0x3FFE];
	[sflag:s23] =	ssyncadd.s32 $0xFFFFFFFF  }
0xa5: {  	s26 =	simm.s32 $execute0_lowered;
	[smem:$0x3FD2] =	sst s25  }
0xa6: {  	s4 =	sshll.u32 s26, $0x1;
	_ =	strace $0x8000004C;
	[dreg:$0x1] =	wrdreg $0xFFFFFFFF  }
0xa7: {  	s28 =	simm.s32 $_size_execute0_lowered;
	s2 =	sadd.s32 s2, s4;
	[dreg:$0x0] =	wrdreg $0x0  }
0xa8: {  	s4 =	sshll.u32 s28, $0x1;
	[dreg:$0x2] =	wrdreg s2  }
0xa9: {  	[dreg:$0x3] =	wrdreg s4  }
0xaa: {  	[dreg:$0x4] =	wrdreg $0xC0  }
0xab: {  	_ =	task [dreg:s6], $0x5FFFF  }
0xac: {  	[dreg:$0x1] =	wrdreg $0xFFFFFFFF  }
0xad: {  	[dreg:$0x0] =	wrdreg $0x60  }
0xae: {  	[dreg:$0x2] =	wrdreg s24  }
0xaf: {  	[dreg:$0x3] =	wrdreg $0x0  }
0xb0: {  	[dreg:$0x4] =	wrdreg $0x28000  }
0xb1: {  	[dreg:$0x5] =	wrdreg $0x9  }
0xb2: {  	_ =	task.clear_ibuf [dreg:s6], $0x6FFFF;
	_ =	strace $0x9000004C  }
0xb3: {  	s29 =	simm.s32 $0x9;
	_ =	strace $0x8000004E  }
0xb4: {  	_ =	swait.ge [sflag:s29], $0x1  }
0xb5: {  	[sflag:s29] =	ssyncadd.s32 $0xFFFFFFFF  }
0xb6: {  	_ =	strace $0x9000004E  }
0xb7: {  	_ =	sfence  }
0xb8: {  	s30 =	sld [smem:$0x0];
	_ =	sdelay $0x2  }
0xb9: {  	s31 =	sshll.u32 s1, $0xD;
	s1 =	sshrl.u32 s1, $0x2  }
0xba: {  	s3 =	sand.u32 $0x4000, s31;
	s1 =	sadd.s32 s1, s30  }
0xbb: {  	s0 =	sor.u32 s3, s0;
	s1 =	sshll.u32 s1, $0x11  }
0xbc: {  	s0 =	sor.u32 s1, s0  }
0xbd: {  	s0 =	sadd.s32 $0x8F2B, s0  }
0xbe: {  	[sflag:s0] =	ssyncadd.remote.s32 $0x1  }
0xbf: {  	_ =	sfence.sel $0xFFFF  }
0xc0: {  	[dreg:$0x0] =	wrdreg $0xFFFFFFFF;
	(pc) =	sbr.abs _section_cstart, $3  }
0xc1: {  	[dreg:$0x1] =	wrdreg $0xFFFFFFFF  }
0xc2: {  	_ =	task.clear_ibuf [dreg:s6], $0x2FFFF;
	_ =	strace $0x9FFFFFFF  }
0xc3: {  	(tm) =	ssettm $0x7FFFFFFF  }
tec
execute0_lowered:
.L_overlay_start_1:
0x0: {  	(tag) =	ssettag $0x1  }
0x1: {  	s0 =	srdreg.scid;
	s1 =	rddreg [dreg:$0x0]  }
0x2: {  	s9 =	stileid.u32;
	s2 =	rddreg [dreg:$0x1];
	s29 =	simm.s32 $0x80  }
0x3: {  	s30 =	simm.s32 $0xE000;
	s31 =	simm.s32 $0x12000;
	s28 =	simm.s32 $0x3  }
0x4: {  	s0 =	sand.u32 $0x1, s0;
	s3 =	sshll.u32 s9, $0x1;
	s6 =	smul.u32 $0x14000, s9  }
0x5: {  	s8 =	sadd.s32 $0x65600, s1;
	s9 =	smul.u32 $0x280, s9;
	s4 =	sor.u32 s0, s3  }
0x6: {  	s3 =	rddreg [dreg:$0x2];
	s7 =	smul.u32 $0x140000, s0;
	s0 =	ssub.s32 $0x2, s0  }
0x7: {  	s5 =	smul.u32 $0x500, s4;
	s4 =	simm.s32 $0x0;
	s17 =	sshrl.u32 s0, $0x1  }
0x8: {  	s12 =	sadd.s32 $0x80, s9;
	s14 =	sadd.s32 $0x100, s9;
	s22 =	sshrl.u32 s6, $0x3  }
0x9: {  	[smem:$0x7FF] =	sst s4;
	s16 =	sadd.s32 s6, s7;
	s0 =	ssub.s32 s0, s17  }
0xa: {  	s18 =	sshll.u32 s12, $0x7;
	s15 =	sshll.u32 s14, $0x7;
	s23 =	sshll.u32 s12, $0x4  }
0xb: {  	s24 =	sshll.u32 s14, $0x4;
	_ =	strace $0x8000004D;
	s10 =	sadd.s32 s5, s1  }
0xc: {  	s5 =	sshrl.u32 s16, $0x3;
	s11 =	sadd.s32 s18, s3;
	s16 =	sadd.s32 $0x180, s9  }
0xd: {  	s9 =	sadd.s32 $0x200, s9;
	s19 =	sadd.s32 s15, s3;
	s12 =	sadd.s32 s8, s23  }
0xe: {  	s13 =	sadd.s32 s18, s2;
	s14 =	sadd.s32 s8, s24;
	s15 =	sadd.s32 s15, s2  }
0xf: {  	s23 =	smax.u32 s0, $0x1;
	s24 =	simm.s32 $0xA000;
	s0 =	simm.s32 $0x1  }
0x10: {  	s1 =	sadd.s32 s5, s1;
	s5 =	sadd.s32 s6, s3;
	[dreg:$0x4] =	wrdreg s11  }
0x11: {  	[dreg:$0x5] =	wrdreg s19;
	s17 =	sshll.u32 s16, $0x7;
	s19 =	sshll.u32 s9, $0x7  }
0x12: {  	s11 =	sadd.s32 s8, s22;
	s6 =	sadd.s32 s6, s2;
	s25 =	sshll.u32 s16, $0x4  }
0x13: {  	s26 =	sshll.u32 s9, $0x4;
	s20 =	sadd.s32 s17, s3;
	[dreg:$0x8] =	wrdreg s11  }
0x14: {  	s21 =	sadd.s32 s19, s3;
	[dreg:$0x9] =	wrdreg s6;
	s16 =	sadd.s32 s8, s25  }
0x15: {  	s17 =	sadd.s32 s17, s2;
	s18 =	sadd.s32 s8, s26;
	s19 =	sadd.s32 s19, s2  }
0x16: {  	s22 =	sadd.s32 $0x8D600, s1;
	s25 =	simm.s32 $0x5;
	s1 =	simm.s32 $0x16000  }
0x17: {  	s26 =	simm.s32 $0x2;
	s6 =	simm.s32 $0x4;
	[dreg:$0x6] =	wrdreg s20  }
0x18: {  	v0 =	vimm.f32 $0.0e+00;
	[dreg:$0x7] =	wrdreg s21;
	s20 =	sadd.s32 $0x1600, s10;
	s21 =	sadd.s32 $0x5B600, s10  }
.LBB2_1:
0x19: {  	s7 =	simm.s32 $0x200;
	s8 =	simm.s32 $0x0  }
.LBB2_2:
0x1a: {  	p0 =	sne.s32 s7, $0xFE00;
	[tilespmem:s8+$0xA000] =	vst v0;
	s8 =	smov.u32 s7;
	s7 =	sadd.s32 $0x200, s7  }
.Ltmp0:
0x1b: {  	(pc) =	sbr.rel @p0 .LBB2_2-.Ltmp0, $2  }
0x1c: {  	_ =	sdelay $0x2  }
0x1d: {  	s8 =	sshra.s32 s8, $0x2  }
0x1e: {  	[tilespmem:s8+$0xA000] =	vst v0  }
0x1f: {  	[spmem:s5] =	stream.linear.scatter [tilespmem:s24], [sflag:$0x5], $0x4000, $0x38;
	[tilespmem:$0x1A000] =	vst v63  }
0x20: {  	_ =	swait.ge [sflag:s25], $0x4000  }
0x21: {  	[sflag:s25] =	ssyncset.done $0x0  }
0x22: {  	s7 =	rddreg [dreg:$0x4];
	[sflag:s25] =	ssyncadd.s32 $0xFFFFC000  }
0x23: {  	[spmem:s7] =	stream.linear.scatter [tilespmem:s24], [sflag:$0x5], $0x4000, $0x38;
	[tilespmem:$0x1A000] =	vst v63  }
0x24: {  	_ =	swait.ge [sflag:s25], $0x4000  }
0x25: {  	[sflag:s25] =	ssyncset.done $0x0  }
0x26: {  	s8 =	rddreg [dreg:$0x5];
	[sflag:s25] =	ssyncadd.s32 $0xFFFFC000  }
0x27: {  	[spmem:s8] =	stream.linear.scatter [tilespmem:s24], [sflag:$0x5], $0x4000, $0x38;
	[tilespmem:$0x1A000] =	vst v63  }
0x28: {  	_ =	swait.ge [sflag:s25], $0x4000  }
0x29: {  	[sflag:s25] =	ssyncset.done $0x0  }
0x2a: {  	s9 =	rddreg [dreg:$0x6];
	[sflag:s25] =	ssyncadd.s32 $0xFFFFC000  }
0x2b: {  	[spmem:s9] =	stream.linear.scatter [tilespmem:s24], [sflag:$0x5], $0x4000, $0x38;
	[tilespmem:$0x1A000] =	vst v63  }
0x2c: {  	_ =	swait.ge [sflag:s25], $0x4000  }
0x2d: {  	[sflag:s25] =	ssyncset.done $0x0  }
0x2e: {  	s10 =	rddreg [dreg:$0x7];
	[sflag:s25] =	ssyncadd.s32 $0xFFFFC000  }
0x2f: {  	[spmem:s10] =	stream.linear.scatter [tilespmem:s24], [sflag:$0x5], $0x4000, $0x38;
	[tilespmem:$0x1A000] =	vst v63  }
0x30: {  	_ =	swait.ge [sflag:s25], $0x4000  }
0x31: {  	[sflag:s25] =	ssyncset.done $0x0  }
0x32: {  	s7 =	simm.s32 $0x0;
	s11 =	rddreg [dreg:$0x8];
	[sflag:s25] =	ssyncadd.s32 $0xFFFFC000  }
0x33: {  	[tilespmem:s24], [sflag:$0x5] =	stream.linear.gather [hbm4b:s11+s7], $0x4000, $0x38;
	[tilespmem:$0x1A000] =	vst v63  }
0x34: {  	_ =	swait.ge [sflag:s25], $0x4000  }
0x35: {  	[sflag:s25] =	ssyncset.done $0x0  }
0x36: {  	s9 =	rddreg [dreg:$0x9];
	[sflag:s25] =	ssyncadd.s32 $0xFFFFC000  }
0x37: {  	[spmem:s9] =	stream.linear.scatter [tilespmem:s24], [sflag:$0x5], $0x4000, $0x38;
	[tilespmem:$0x1A000] =	vst v63  }
0x38: {  	_ =	swait.ge [sflag:s25], $0x4000  }
0x39: {  	[sflag:s25] =	ssyncset.done $0x0  }
0x3a: {  	[sflag:s25] =	ssyncadd.s32 $0xFFFFC000  }
0x3b: {  	[tilespmem:s24], [sflag:$0x5] =	stream.linear.gather [hbm4b:s12+s7], $0x4000, $0x38;
	[tilespmem:$0x1A000] =	vst v63  }
0x3c: {  	_ =	swait.ge [sflag:s25], $0x4000  }
0x3d: {  	[sflag:s25] =	ssyncset.done $0x0  }
0x3e: {  	[sflag:s25] =	ssyncadd.s32 $0xFFFFC000  }
0x3f: {  	[spmem:s13] =	stream.linear.scatter [tilespmem:s24], [sflag:$0x5], $0x4000, $0x38;
	[tilespmem:$0x1A000] =	vst v63  }
0x40: {  	_ =	swait.ge [sflag:s25], $0x4000  }
0x41: {  	[sflag:s25] =	ssyncset.done $0x0  }
0x42: {  	[sflag:s25] =	ssyncadd.s32 $0xFFFFC000  }
0x43: {  	[tilespmem:s24], [sflag:$0x5] =	stream.linear.gather [hbm4b:s14+s7], $0x4000, $0x38;
	[tilespmem:$0x1A000] =	vst v63  }
0x44: {  	_ =	swait.ge [sflag:s25], $0x4000  }
0x45: {  	[sflag:s25] =	ssyncset.done $0x0  }
0x46: {  	[sflag:s25] =	ssyncadd.s32 $0xFFFFC000  }
0x47: {  	[spmem:s15] =	stream.linear.scatter [tilespmem:s24], [sflag:$0x5], $0x4000, $0x38;
	[tilespmem:$0x1A000] =	vst v63  }
0x48: {  	_ =	swait.ge [sflag:s25], $0x4000  }
0x49: {  	[sflag:s25] =	ssyncset.done $0x0  }
0x4a: {  	[sflag:s25] =	ssyncadd.s32 $0xFFFFC000  }
0x4b: {  	[tilespmem:s24], [sflag:$0x5] =	stream.linear.gather [hbm4b:s16+s7], $0x4000, $0x38;
	[tilespmem:$0x1A000] =	vst v63  }
0x4c: {  	_ =	swait.ge [sflag:s25], $0x4000  }
0x4d: {  	[sflag:s25] =	ssyncset.done $0x0  }
0x4e: {  	[sflag:s25] =	ssyncadd.s32 $0xFFFFC000  }
0x4f: {  	[spmem:s17] =	stream.linear.scatter [tilespmem:s24], [sflag:$0x5], $0x4000, $0x38;
	[tilespmem:$0x1A000] =	vst v63  }
0x50: {  	_ =	swait.ge [sflag:s25], $0x4000  }
0x51: {  	[sflag:s25] =	ssyncset.done $0x0  }
0x52: {  	[sflag:s25] =	ssyncadd.s32 $0xFFFFC000  }
0x53: {  	[tilespmem:s24], [sflag:$0x5] =	stream.linear.gather [hbm4b:s18+s7], $0x4000, $0x38;
	[tilespmem:$0x1A000] =	vst v63  }
0x54: {  	_ =	swait.ge [sflag:s25], $0x4000  }
0x55: {  	[sflag:s25] =	ssyncset.done $0x0  }
0x56: {  	[sflag:s25] =	ssyncadd.s32 $0xFFFFC000  }
0x57: {  	[spmem:s19] =	stream.linear.scatter [tilespmem:s24], [sflag:$0x5], $0x4000, $0x38;
	[tilespmem:$0x1A000] =	vst v63  }
0x58: {  	_ =	swait.ge [sflag:s25], $0x4000  }
0x59: {  	[sflag:s25] =	ssyncset.done $0x0  }
0x5a: {  	s10 =	simm.s32 $0x5000;
	[sflag:s25] =	ssyncadd.s32 $0xFFFFC000  }
0x5b: {  	[tilespmem:s10], [sflag:$0x5] =	stream.linear.gather [hbm4b:s20+s7], $0x2780, $0x38;
	[tilespmem:$0x1A000] =	vst v63  }
0x5c: {  	_ =	swait.ge [sflag:s25], $0x2780  }
0x5d: {  	[sflag:s25] =	ssyncset.done $0x0  }
0x5e: {  	s11 =	simm.s32 $0x7800;
	[sflag:s25] =	ssyncadd.s32 $0xFFFFD880  }
0x5f: {  	[tilespmem:s11], [sflag:$0x5] =	stream.linear.gather [hbm4b:s21+s7], $0x2780, $0x38;
	[tilespmem:$0x1A000] =	vst v63  }
0x60: {  	_ =	swait.ge [sflag:s25], $0x2780  }
0x61: {  	[sflag:s25] =	ssyncset.done $0x0  }
0x62: {  	[sflag:s25] =	ssyncadd.s32 $0xFFFFD880  }
0x63: {  	s8 =	simm.s32 $0x7800;
	[bflag:$0x0] =	sbarrier.arrive $0xFFFF  }
0x64: {  	[tilespmem:s24], [sflag:$0x1] =	stream.indirect.gather [spmem:s2], $0x10, s8, s29, $0xb8;
	[tilespmem:$0x1A000] =	vst v63  }
0x65: {  	s9 =	simm.s32 $0x7880  }
0x66: {  	[tilespmem:s30], [sflag:$0x2] =	stream.indirect.gather [spmem:s2], $0x10, s9, s29, $0xb8;
	[tilespmem:$0x1A000] =	vst v63  }
0x67: {  	s10 =	simm.s32 $0x7900  }
0x68: {  	[tilespmem:s31], [sflag:$0x3] =	stream.indirect.gather [spmem:s2], $0x10, s10, s29, $0xb8;
	[tilespmem:$0x1A000] =	vst v63  }
0x69: {  	s11 =	simm.s32 $0x7980  }
0x6a: {  	[tilespmem:s1], [sflag:$0x4] =	stream.indirect.gather [spmem:s2], $0x10, s11, s29, $0xb8;
	[tilespmem:$0x1A000] =	vst v63  }
0x6b: {  	_ =	swait.ge [sflag:s0], $0x800  }
0x6c: {  	[sflag:s0] =	ssyncset.done $0x0  }
0x6d: {  	s8 =	simm.s32 $0x5000;
	[sflag:s0] =	ssyncadd.s32 $0xFFFFF800  }
0x6e: {  	[spmem:s3] =	stream.indirect.scatter.add.f32 [tilespmem:s24], [sflag:$0x5], $0x10, s8, s29, $0xb8;
	[tilespmem:$0x1A000] =	vst v63  }
0x6f: {  	_ =	swait.ge [sflag:s25], $0x800  }
0x70: {  	[sflag:s25] =	ssyncset.done $0x0  }
0x71: {  	[sflag:s25] =	ssyncadd.s32 $0xFFFFF800  }
0x72: {  	_ =	swait.ge [sflag:s26], $0x800  }
0x73: {  	[sflag:s26] =	ssyncset.done $0x0  }
0x74: {  	s9 =	simm.s32 $0x5080;
	[sflag:s26] =	ssyncadd.s32 $0xFFFFF800  }
0x75: {  	[spmem:s3] =	stream.indirect.scatter.add.f32 [tilespmem:s30], [sflag:$0x5], $0x10, s9, s29, $0xb8;
	[tilespmem:$0x1A000] =	vst v63  }
0x76: {  	_ =	swait.ge [sflag:s25], $0x800  }
0x77: {  	[sflag:s25] =	ssyncset.done $0x0  }
0x78: {  	[sflag:s25] =	ssyncadd.s32 $0xFFFFF800  }
0x79: {  	_ =	swait.ge [sflag:s28], $0x800  }
0x7a: {  	[sflag:s28] =	ssyncset.done $0x0  }
0x7b: {  	s10 =	simm.s32 $0x5100;
	[sflag:s28] =	ssyncadd.s32 $0xFFFFF800  }
0x7c: {  	[spmem:s3] =	stream.indirect.scatter.add.f32 [tilespmem:s31], [sflag:$0x5], $0x10, s10, s29, $0xb8;
	[tilespmem:$0x1A000] =	vst v63  }
0x7d: {  	_ =	swait.ge [sflag:s25], $0x800  }
0x7e: {  	[sflag:s25] =	ssyncset.done $0x0  }
0x7f: {  	[sflag:s25] =	ssyncadd.s32 $0xFFFFF800  }
0x80: {  	_ =	swait.ge [sflag:s6], $0x800  }
0x81: {  	[sflag:s6] =	ssyncset.done $0x0  }
0x82: {  	s11 =	simm.s32 $0x5180;
	[sflag:s6] =	ssyncadd.s32 $0xFFFFF800  }
0x83: {  	[spmem:s3] =	stream.indirect.scatter.add.f32 [tilespmem:s1], [sflag:$0x5], $0x10, s11, s29, $0xb8;
	[tilespmem:$0x1A000] =	vst v63  }
0x84: {  	_ =	swait.ge [sflag:s25], $0x800  }
0x85: {  	s7 =	simm.s32 $0x200;
	s8 =	simm.s32 $0x1000;
	[sflag:s25] =	ssyncset.done $0x0  }
.LBB2_4:
0x86: {  	s11 =	sadd.s32 $0x7800, s7  }
0x87: {  	[sflag:s25] =	ssyncadd.s32 $0xFFFFF800;
	s9 =	smov.u32 s8;
	s10 =	sadd.s32 $0x800, s8  }
0x88: {  	[tilespmem:s24], [sflag:$0x1] =	stream.indirect.gather [spmem:s2], $0x10, s11, s29, $0xb8;
	[tilespmem:$0x1A000] =	vst v63  }
0x89: {  	p0 =	sne.s32 s8, $0x9000;
	s8 =	sadd.s32 $0x7880, s7  }
0x8a: {  	[tilespmem:s30], [sflag:$0x2] =	stream.indirect.gather [spmem:s2], $0x10, s8, s29, $0xb8;
	[tilespmem:$0x1A000] =	vst v63  }
0x8b: {  	s8 =	sadd.s32 $0x7900, s7  }
0x8c: {  	[tilespmem:s31], [sflag:$0x3] =	stream.indirect.gather [spmem:s2], $0x10, s8, s29, $0xb8;
	[tilespmem:$0x1A000] =	vst v63  }
0x8d: {  	s8 =	sadd.s32 $0x7980, s7  }
0x8e: {  	[tilespmem:s1], [sflag:$0x4] =	stream.indirect.gather [spmem:s2], $0x10, s8, s29, $0xb8;
	[tilespmem:$0x1A000] =	vst v63  }
0x8f: {  	_ =	swait.ge [sflag:s0], $0x800  }
0x90: {  	[sflag:s0] =	ssyncset.done $0x0  }
0x91: {  	s8 =	sadd.s32 $0x5000, s7;
	[sflag:s0] =	ssyncadd.s32 $0xFFFFF800  }
0x92: {  	[spmem:s3] =	stream.indirect.scatter.add.f32 [tilespmem:s24], [sflag:$0x5], $0x10, s8, s29, $0xb8;
	[tilespmem:$0x1A000] =	vst v63  }
0x93: {  	_ =	swait.ge [sflag:s25], $0x800  }
0x94: {  	[sflag:s25] =	ssyncset.done $0x0  }
0x95: {  	[sflag:s25] =	ssyncadd.s32 $0xFFFFF800  }
0x96: {  	_ =	swait.ge [sflag:s26], $0x800  }
0x97: {  	[sflag:s26] =	ssyncset.done $0x0  }
0x98: {  	s8 =	sadd.s32 $0x5080, s7;
	[sflag:s26] =	ssyncadd.s32 $0xFFFFF800  }
0x99: {  	[spmem:s3] =	stream.indirect.scatter.add.f32 [tilespmem:s30], [sflag:$0x5], $0x10, s8, s29, $0xb8;
	[tilespmem:$0x1A000] =	vst v63  }
0x9a: {  	_ =	swait.ge [sflag:s25], $0x800  }
0x9b: {  	[sflag:s25] =	ssyncset.done $0x0  }
0x9c: {  	[sflag:s25] =	ssyncadd.s32 $0xFFFFF800  }
0x9d: {  	_ =	swait.ge [sflag:s28], $0x800  }
0x9e: {  	[sflag:s28] =	ssyncset.done $0x0  }
0x9f: {  	s8 =	sadd.s32 $0x5100, s7;
	[sflag:s28] =	ssyncadd.s32 $0xFFFFF800  }
0xa0: {  	[spmem:s3] =	stream.indirect.scatter.add.f32 [tilespmem:s31], [sflag:$0x5], $0x10, s8, s29, $0xb8;
	[tilespmem:$0x1A000] =	vst v63  }
0xa1: {  	_ =	swait.ge [sflag:s25], $0x800  }
0xa2: {  	[sflag:s25] =	ssyncset.done $0x0  }
0xa3: {  	[sflag:s25] =	ssyncadd.s32 $0xFFFFF800  }
0xa4: {  	_ =	swait.ge [sflag:s6], $0x800  }
.Ltmp1:
0xa5: {  	[sflag:s6] =	ssyncset.done $0x0;
	(pc) =	sbr.rel @p0 .LBB2_4-.Ltmp1, $4  }
0xa6: {  	s7 =	sadd.s32 $0x5180, s7;
	[sflag:s6] =	ssyncadd.s32 $0xFFFFF800  }
0xa7: {  	[spmem:s3] =	stream.indirect.scatter.add.f32 [tilespmem:s1], [sflag:$0x5], $0x10, s7, s29, $0xb8;
	[tilespmem:$0x1A000] =	vst v63  }
0xa8: {  	_ =	swait.ge [sflag:s25], $0x800  }
0xa9: {  	s8 =	smov.u32 s10;
	s7 =	sshra.s32 s9, $0x2;
	[sflag:s25] =	ssyncset.done $0x0  }
0xaa: {  	s8 =	sadd.s32 $0x7800, s7;
	[sflag:s25] =	ssyncadd.s32 $0xFFFFF800  }
0xab: {  	[tilespmem:s24], [sflag:$0x1] =	stream.indirect.gather [spmem:s2], $0x10, s8, s29, $0xb8;
	[tilespmem:$0x1A000] =	vst v63  }
0xac: {  	s11 =	sadd.s32 $0x7880, s7  }
0xad: {  	[tilespmem:s30], [sflag:$0x2] =	stream.indirect.gather [spmem:s2], $0x10, s11, s29, $0xb8;
	[tilespmem:$0x1A000] =	vst v63  }
0xae: {  	s9 =	sadd.s32 $0x7900, s7  }
0xaf: {  	[tilespmem:s31], [sflag:$0x3] =	stream.indirect.gather [spmem:s2], $0x10, s9, s29, $0xb8;
	[tilespmem:$0x1A000] =	vst v63  }
0xb0: {  	s10 =	sadd.s32 $0x7980, s7  }
0xb1: {  	[tilespmem:s1], [sflag:$0x4] =	stream.indirect.gather [spmem:s2], $0x10, s10, s29, $0xb8;
	[tilespmem:$0x1A000] =	vst v63  }
0xb2: {  	_ =	swait.ge [sflag:s0], $0x800  }
0xb3: {  	[sflag:s0] =	ssyncset.done $0x0  }
0xb4: {  	s11 =	sadd.s32 $0x5000, s7;
	[sflag:s0] =	ssyncadd.s32 $0xFFFFF800  }
0xb5: {  	[spmem:s3] =	stream.indirect.scatter.add.f32 [tilespmem:s24], [sflag:$0x5], $0x10, s11, s29, $0xb8;
	[tilespmem:$0x1A000] =	vst v63  }
0xb6: {  	_ =	swait.ge [sflag:s25], $0x800  }
0xb7: {  	[sflag:s25] =	ssyncset.done $0x0  }
0xb8: {  	[sflag:s25] =	ssyncadd.s32 $0xFFFFF800  }
0xb9: {  	_ =	swait.ge [sflag:s26], $0x800  }
0xba: {  	[sflag:s26] =	ssyncset.done $0x0  }
0xbb: {  	s9 =	sadd.s32 $0x5080, s7;
	[sflag:s26] =	ssyncadd.s32 $0xFFFFF800  }
0xbc: {  	[spmem:s3] =	stream.indirect.scatter.add.f32 [tilespmem:s30], [sflag:$0x5], $0x10, s9, s29, $0xb8;
	[tilespmem:$0x1A000] =	vst v63  }
0xbd: {  	_ =	swait.ge [sflag:s25], $0x800  }
0xbe: {  	[sflag:s25] =	ssyncset.done $0x0  }
0xbf: {  	[sflag:s25] =	ssyncadd.s32 $0xFFFFF800  }
0xc0: {  	_ =	swait.ge [sflag:s28], $0x800  }
0xc1: {  	[sflag:s28] =	ssyncset.done $0x0  }
0xc2: {  	s10 =	sadd.s32 $0x5100, s7;
	[sflag:s28] =	ssyncadd.s32 $0xFFFFF800  }
0xc3: {  	[spmem:s3] =	stream.indirect.scatter.add.f32 [tilespmem:s31], [sflag:$0x5], $0x10, s10, s29, $0xb8;
	[tilespmem:$0x1A000] =	vst v63  }
0xc4: {  	_ =	swait.ge [sflag:s25], $0x800  }
0xc5: {  	[sflag:s25] =	ssyncset.done $0x0  }
0xc6: {  	[sflag:s25] =	ssyncadd.s32 $0xFFFFF800  }
0xc7: {  	_ =	swait.ge [sflag:s6], $0x800  }
0xc8: {  	[sflag:s6] =	ssyncset.done $0x0  }
0xc9: {  	s11 =	sadd.s32 $0x5180, s7;
	[sflag:s6] =	ssyncadd.s32 $0xFFFFF800  }
0xca: {  	[spmem:s3] =	stream.indirect.scatter.add.f32 [tilespmem:s1], [sflag:$0x5], $0x10, s11, s29, $0xb8;
	[tilespmem:$0x1A000] =	vst v63  }
0xcb: {  	_ =	swait.ge [sflag:s25], $0x800  }
0xcc: {  	[sflag:s25] =	ssyncset.done $0x0  }
0xcd: {  	s8 =	simm.s32 $0x9E00;
	[sflag:s25] =	ssyncadd.s32 $0xFFFFF800  }
0xce: {  	[tilespmem:s24], [sflag:$0x1] =	stream.indirect.gather [spmem:s2], $0x10, s8, s29, $0xb8;
	[tilespmem:$0x1A000] =	vst v63  }
0xcf: {  	_ =	swait.ge [sflag:s0], $0x800  }
0xd0: {  	[sflag:s0] =	ssyncset.done $0x0  }
0xd1: {  	s9 =	simm.s32 $0x7600;
	[sflag:s0] =	ssyncadd.s32 $0xFFFFF800  }
0xd2: {  	[spmem:s3] =	stream.indirect.scatter.add.f32 [tilespmem:s24], [sflag:$0x5], $0x10, s9, s29, $0xb8;
	[tilespmem:$0x1A000] =	vst v63  }
0xd3: {  	_ =	swait.ge [sflag:s25], $0x800  }
0xd4: {  	[sflag:s25] =	ssyncset.done $0x0  }
0xd5: {  	s10 =	simm.s32 $0x9E80;
	[sflag:s25] =	ssyncadd.s32 $0xFFFFF800  }
0xd6: {  	[tilespmem:s24], [sflag:$0x1] =	stream.indirect.gather [spmem:s2], $0x10, s10, s29, $0xb8;
	[tilespmem:$0x1A000] =	vst v63  }
0xd7: {  	_ =	swait.ge [sflag:s0], $0x800  }
0xd8: {  	[sflag:s0] =	ssyncset.done $0x0  }
0xd9: {  	s11 =	simm.s32 $0x7680;
	[sflag:s0] =	ssyncadd.s32 $0xFFFFF800  }
0xda: {  	[spmem:s3] =	stream.indirect.scatter.add.f32 [tilespmem:s24], [sflag:$0x5], $0x10, s11, s29, $0xb8;
	[tilespmem:$0x1A000] =	vst v63  }
0xdb: {  	_ =	swait.ge [sflag:s25], $0x800  }
0xdc: {  	[sflag:s25] =	ssyncset.done $0x0  }
0xdd: {  	s8 =	simm.s32 $0x9F00;
	[sflag:s25] =	ssyncadd.s32 $0xFFFFF800  }
0xde: {  	[tilespmem:s24], [sflag:$0x1] =	stream.indirect.gather [spmem:s2], $0x10, s8, s29, $0xb8;
	[tilespmem:$0x1A000] =	vst v63  }
0xdf: {  	_ =	swait.ge [sflag:s0], $0x800  }
0xe0: {  	[sflag:s0] =	ssyncset.done $0x0  }
0xe1: {  	s9 =	simm.s32 $0x7700;
	[sflag:s0] =	ssyncadd.s32 $0xFFFFF800  }
0xe2: {  	[spmem:s3] =	stream.indirect.scatter.add.f32 [tilespmem:s24], [sflag:$0x5], $0x10, s9, s29, $0xb8;
	[tilespmem:$0x1A000] =	vst v63  }
0xe3: {  	s10 =	stileid.u32;
	_ =	swait.ge [sflag:s25], $0x800  }
0xe4: {  	s4 =	sadd.s32 $0x1, s4;
	s7 =	sshll.u32 s10, $0x6;
	[sflag:s25] =	ssyncset.done $0x0  }
0xe5: {  	p0 =	sne.s32 s4, s23;
	s7 =	sor.u32 $0x1C05, s7;
	[sflag:s25] =	ssyncadd.s32 $0xFFFFF800  }
.Ltmp2:
0xe6: {  	s11 =	sshrl.u32 s5, $0x3;
	[bflag:$0x0] =	sbarrier.arrive $0xFFFF;
	(pc) =	sbr.rel @p0 .LBB2_1-.Ltmp2, $4  }
0xe7: {  	[hbm:s22], [sflag:s7] =	dma.local [spmem:s11], $0x2800  }
0xe8: {  	_ =	swait.ge [sflag:s25], $0x2800  }
0xe9: {  	[sflag:s25] =	ssyncset.done $0x0  }
0xea: {  	[sflag:s25] =	ssyncadd.s32 $0xFFFFD800  }
0xeb: {  	_ =	sfence.sel $0x180000  }
0xec: {  	[bflag:$0x0] =	sbarrier.arrive $0xFFFF  }
0xed: {  	_ =	strace $0x9000004D  }
0xee: {  	s0 =	stileid.u32;
	[bflag:$0x2] =	sbarrier.arrive $0xFFFF  }
0xef: {  	p0 =	sne.s32 s0, $0x0;
	s0 =	rddreg [dreg:$0x3]  }
0xf0: {  	s0 =	sadd.s32 @!p0 $0x100000, s0  }
0xf1: {  	[sflag:s0] =	ssyncadd.tile.s32 @!p0 $0x1;
	_ =	shalt  }
.Lfunc_end2:
_tile_overlayer_lowered:
.L_overlay_start_2:
0xf2: {  	(tag) =	ssettag $0x2  }
0xf3: {  	s0 =	rddreg [dreg:$0x0];
	s2 =	stileid.u32  }
0xf4: {  	s1 =	rddreg [dreg:$0x1];
	p0 =	sne.s32 s2, $0x0  }
0xf5: {  	s3 =	rddreg [dreg:$0x2];
	[bflag:$0x3] =	sbarrier.arrive $0xFFFF;
	s2 =	simm.s32 @!p0 $0x1C05  }
0xf6: {  	[timem:s3], [sflag:s2] =	dma.local @!p0 [hbm:s0], s1  }
0xf7: {  	s0 =	simm.s32 @!p0 $0x5  }
0xf8: {  	_ =	swait.ge @!p0 [sflag:s0], s1  }
0xf9: {  	s1 =	ssub.s32 @!p0 $0x0, s1;
	[sflag:s0] =	ssyncset.done @!p0 $0x0  }
0xfa: {  	[sflag:s0] =	ssyncadd.s32 @!p0 s1  }
0xfb: {  	[bflag:$0x3] =	sbarrier.arrive $0xFFFF  }
0xfc: {  	_ =	shalt  }

// kernel: kernel.7.cloned.1.call-start
scs
__scs_entry_jumppad:
0x0: {  	(pc) =	sbr.rel $0x88, $3  }
0x1: {  	(tag) =	ssettag $0x0;
	lr =	simm.s32 $0x1  }
0x2: {  	[smem:$0x3F9B] =	sst lr;
	_ =	strace $0xD0000000  }
0x3: {  	_ = 	snop  }
0x4: {  	_ = 	snop  }
0x5: {  	_ = 	snop  }
0x6: {  	_ = 	snop  }
0x7: {  	_ = 	snop  }
__scs_overlays_trampoline_lowered:
0x8: {  	[smem:$0x3FAA] =	sst s0  }
0x9: {  	[smem:$0x3FAB] =	sst s1  }
0xa: {  	[smem:$0x3FAC] =	sst s2  }
0xb: {  	[smem:$0x3FAD] =	sst s3  }
0xc: {  	[smem:$0x3FAE] =	sst s4  }
0xd: {  	[smem:$0x3FAF] =	sst s5  }
0xe: {  	[smem:$0x3FB0] =	sst s6  }
0xf: {  	[smem:$0x3FB1] =	sst s7  }
0x10: {  	[smem:$0x3FB2] =	sst s8  }
0x11: {  	[smem:$0x3FB3] =	sst s9;
	s0 =	simm.s32 @!p0 $0x0  }
0x12: {  	s1 =	sld [smem:$0x3F99];
	s0 =	simm.s32 @p0 $0x1  }
0x13: {  	[smem:$0x3FB4] =	sst s0;
	s0 =	simm.s32 @!p1 $0x0  }
0x14: {  	s2 =	sld [smem:$0x3F98];
	s0 =	simm.s32 @p1 $0x1  }
0x15: {  	[smem:$0x3FB5] =	sst s0;
	s0 =	simm.s32 @!p2 $0x0  }
0x16: {  	s3 =	sld [smem:$0x3FDB];
	s0 =	simm.s32 @p2 $0x1  }
0x17: {  	s4 =	simm.s32 $0x1BF5;
	[smem:$0x3FB7] =	sst s0  }
0x18: {  	s0 =	sld [smem:$0x3F9A];
	_ =	swait.ge [sflag:s4], $0x0  }
0x19: {  	s7 =	sld [smem:$0x3F9B]  }
0x1a: {  	s8 =	sadd.s32 $0xFFFFE003, lr  }
0x1b: {  	s9 =	sadd.s32 $0xFFFFFEF7, lr;
	s5 =	simm.s32 $0xFFFFFFFF;
	p2 =	slt.u32 s8, $0xFFFFF086  }
0x1c: {  	p1 =	slt.u32 s9, $0xF7A;
	s5 =	simm.s32 @!p2 $0x0  }
0x1d: {  	s5 =	simm.s32 @p1 $0x1;
	p0 =	seq.s32 s7, s2  }
0x1e: {  	s7 =	smul.u32 @!p0 $0xF7A, s2;
	p2 =	seq.s32 @!p0 s5, $0x0  }
0x1f: {  	s9 =	smul.u32 $0xF7A, s1;
	s8 =	simm.s32 @!p0 $0x1BF5;
	p2 =	por !p2, p0  }
0x20: {  	[sflag:s8] =	ssyncset.s32 @!p0 $0xFFFFF086;
	s6 =	sadd.s32 @!p0 s3, s7;
	s7 =	simm.s32 @!p0 $0x108  }
0x21: {  	s3 =	sadd.s32 s3, s9;
	s6 =	sadd.s32 @!p0 $0x88, s6;
	s7 =	simm.s32 @p2 $0x1082  }
0x22: {  	[simem:s7], [sflag:s8] =	dma.local @!p0 [hbm:s6], $0xF7A  }
0x23: {  	s9 =	sor.u32 $0xD0000000, s2;
	s6 =	simm.s32 $0x108;
	_ =	swait.ge @!p0 [sflag:s8], $0x0  }
0x24: {  	s3 =	sadd.s32 $0x88, s3;
	s6 =	simm.s32 @!p1 $0x1082;
	[sflag:s4] =	ssyncset.s32 $0xFFFFF086  }
0x25: {  	[simem:s6], [sflag:s4] =	dma.local [hbm:s3], $0xF7A  }
0x26: {  	[smem:$0x3F9B] =	sst s1;
	(tag) =	ssettag s2;
	_ =	strace s9  }
0x27: {  	s1 =	sld [smem:$0x3FAB]  }
0x28: {  	s2 =	sld [smem:$0x3FAC]  }
0x29: {  	s4 =	sld [smem:$0x3FAE]  }
0x2a: {  	p0 =	seq.s32 s5, $0x0;
	s5 =	sld [smem:$0x3FAF]  }
0x2b: {  	s6 =	sld [smem:$0x3FB0]  }
0x2c: {  	s7 =	sld [smem:$0x3FB1]  }
0x2d: {  	s3 =	simm.s32 $0x108;
	s8 =	sld [smem:$0x3FB2]  }
0x2e: {  	s3 =	simm.s32 @!p0 $0x1082;
	s9 =	sld [smem:$0x3FB3]  }
0x2f: {  	lr =	sadd.s32 s0, s3;
	s0 =	sld [smem:$0x3FAA]  }
0x30: {  	s3 =	sld [smem:$0x3FAD]  }
0x31: {  	[smem:$0x3FB6] =	sst s10  }
0x32: {  	s10 =	sld [smem:$0x3FB4];
	_ =	sdelay $0x3  }
0x33: {  	p0 =	seq.s32 s10, $0x1;
	s10 =	sld [smem:$0x3FB6];
	_ =	sdelay $0x3  }
0x34: {  	[smem:$0x3FB6] =	sst s10  }
0x35: {  	s10 =	sld [smem:$0x3FB5];
	_ =	sdelay $0x3  }
0x36: {  	p1 =	seq.s32 s10, $0x1;
	s10 =	sld [smem:$0x3FB6];
	_ =	sdelay $0x3  }
0x37: {  	[smem:$0x3FB6] =	sst s10  }
0x38: {  	s10 =	sld [smem:$0x3FB7]  }
0x39: {  	_ = 	snop;
	(pc) =	sbr.ind lr, $3  }
0x3a: {  	_ = 	snop  }
0x3b: {  	_ = 	snop  }
0x3c: {  	p2 =	seq.s32 s10, $0x1;
	s10 =	sld [smem:$0x3FB6]  }
0x3d: {  	_ =	shalt  }
0x3e: {  	_ =	shalt  }
0x3f: {  	_ =	shalt  }
0x40: {  	_ =	shalt  }
0x41: {  	_ =	shalt  }
0x42: {  	_ =	shalt  }
0x43: {  	_ =	shalt  }
0x44: {  	_ =	shalt  }
0x45: {  	_ =	shalt  }
0x46: {  	_ =	shalt  }
0x47: {  	_ =	shalt  }
0x48: {  	_ =	shalt  }
0x49: {  	_ =	shalt  }
0x4a: {  	_ =	shalt  }
0x4b: {  	_ =	shalt  }
0x4c: {  	_ =	shalt  }
0x4d: {  	_ =	shalt  }
0x4e: {  	_ =	shalt  }
0x4f: {  	_ =	shalt  }
0x50: {  	_ =	shalt  }
0x51: {  	_ =	shalt  }
0x52: {  	_ =	shalt  }
0x53: {  	_ =	shalt  }
0x54: {  	_ =	shalt  }
0x55: {  	_ =	shalt  }
0x56: {  	_ =	shalt  }
0x57: {  	_ =	shalt  }
0x58: {  	_ =	shalt  }
0x59: {  	_ =	shalt  }
0x5a: {  	_ =	shalt  }
0x5b: {  	_ =	shalt  }
0x5c: {  	_ =	shalt  }
0x5d: {  	_ =	shalt  }
0x5e: {  	_ =	shalt  }
0x5f: {  	_ =	shalt  }
0x60: {  	_ =	shalt  }
0x61: {  	_ =	shalt  }
0x62: {  	_ =	shalt  }
0x63: {  	_ =	shalt  }
0x64: {  	_ =	shalt  }
0x65: {  	_ =	shalt  }
0x66: {  	_ =	shalt  }
0x67: {  	_ =	shalt  }
0x68: {  	_ =	shalt  }
0x69: {  	_ =	shalt  }
0x6a: {  	_ =	shalt  }
0x6b: {  	_ =	shalt  }
0x6c: {  	_ =	shalt  }
0x6d: {  	_ =	shalt  }
0x6e: {  	_ =	shalt  }
0x6f: {  	_ =	shalt  }
0x70: {  	_ =	shalt  }
0x71: {  	_ =	shalt  }
0x72: {  	_ =	shalt  }
0x73: {  	_ =	shalt  }
0x74: {  	_ =	shalt  }
0x75: {  	_ =	shalt  }
0x76: {  	_ =	shalt  }
0x77: {  	_ =	shalt  }
0x78: {  	_ =	shalt  }
0x79: {  	_ =	shalt  }
0x7a: {  	_ =	shalt  }
0x7b: {  	_ =	shalt  }
0x7c: {  	_ =	shalt  }
0x7d: {  	_ =	shalt  }
0x7e: {  	_ =	shalt  }
0x7f: {  	_ =	shalt  }
0x80: {  	_ =	shalt  }
0x81: {  	_ =	shalt  }
0x82: {  	_ =	shalt  }
0x83: {  	_ =	shalt  }
0x84: {  	_ =	shalt  }
0x85: {  	_ =	shalt  }
0x86: {  	_ =	shalt  }
0x87: {  	_ =	shalt  }
.Lfunc_end0:
.L_simem_size_0:
called_computation_lowered:
.L_overlay_start_0:
0x88: {  	s2 =	sld [smem:$0x3FD9]  }
0x89: {  	s3 =	sld [smem:$0x3FFE];
	_ =	sdelay $0x1  }
0x8a: {  	s1 =	srdreg.scid  }
0x8b: {  	s0 =	sand.u32 $0x1, s1  }
0x8c: {  	s16 =	sshll.u32 s0, $0xA;
	s2 =	sadd.s32 s3, s2  }
0x8d: {  	s2 =	sadd.s32 s2, s16  }
0x8e: {  	[smem:$0x3FC2] =	sst s2  }
0x8f: {  	_ = 	snop  }
0x90: {  	(tm) =	ssettm $0x1  }
0x91: {  	s17 =	sld [smem:$0x3FFB];
	_ =	sdelay $0x3  }
0x92: {  	_ =	strace s17  }
0x93: {  	s2 =	sld [smem:$0x3FFC];
	_ =	sdelay $0x3  }
0x94: {  	_ =	strace s2  }
0x95: {  	s2 =	sld [smem:$0x3FFD];
	_ =	sdelay $0x3  }
0x96: {  	_ =	strace s2  }
0x97: {  	_ =	strace $0x8FFFFFFF  }
0x98: {  	s18 =	sld [smem:$0x3FDB];
	_ =	sdelay $0x1  }
0x99: {  	s19 =	simm.s32 $_scs_section_size  }
0x9a: {  	s4 =	simm.s32 $_size__tile_overlayer_lowered;
	s5 =	simm.s32 $_tile_overlayer_lowered  }
0x9b: {  	s22 =	simm.s32 $0x1BFF;
	s21 =	sshll.u32 s5, $0x1;
	s2 =	sadd.s32 s19, s18  }
0x9c: {  	s6 =	simm.s32 $0x0;
	s20 =	sshll.u32 s4, $0x1;
	s4 =	sadd.s32 s21, s2  }
0x9d: {  	[timem:s6], [sflag:s22] =	dma.local [hbm:s4], s20  }
0x9e: {  	_ =	swait.ge [sflag:s22], s20  }
0x9f: {  	s3 =	ssub.s32 $0x0, s20;
	[sflag:s22] =	ssyncset.done $0x0  }
0xa0: {  	[sflag:s22] =	ssyncadd.s32 s3;
	_ =	sdelay $0x1  }
0xa1: {  	s23 =	simm.s32 $0x1B8B  }
0xa2: {  	_ =	swait.ge [sflag:s23], $0x1  }
0xa3: {  	[sflag:s23] =	ssyncset.done $0x0  }
0xa4: {  	s25 =	simm.s32 $0x1B8E;
	s24 =	sld [smem:$0x3FFE];
	[sflag:s23] =	ssyncadd.s32 $0xFFFFFFFF  }
0xa5: {  	s26 =	simm.s32 $execute0_lowered;
	[smem:$0x3FD2] =	sst s25  }
0xa6: {  	s4 =	sshll.u32 s26, $0x1;
	_ =	strace $0x80000046;
	[dreg:$0x1] =	wrdreg $0xFFFFFFFF  }
0xa7: {  	s28 =	simm.s32 $_size_execute0_lowered;
	s2 =	sadd.s32 s2, s4;
	[dreg:$0x0] =	wrdreg $0x0  }
0xa8: {  	s4 =	sshll.u32 s28, $0x1;
	[dreg:$0x2] =	wrdreg s2  }
0xa9: {  	[dreg:$0x3] =	wrdreg s4  }
0xaa: {  	[dreg:$0x4] =	wrdreg $0xC0  }
0xab: {  	_ =	task [dreg:s6], $0x5FFFF  }
0xac: {  	[dreg:$0x1] =	wrdreg $0xFFFFFFFF  }
0xad: {  	[dreg:$0x0] =	wrdreg $0x60  }
0xae: {  	[dreg:$0x2] =	wrdreg s24  }
0xaf: {  	[dreg:$0x3] =	wrdreg $0x0  }
0xb0: {  	[dreg:$0x4] =	wrdreg $0x9  }
0xb1: {  	_ =	task.clear_ibuf [dreg:s6], $0x5FFFF;
	_ =	strace $0x90000046  }
0xb2: {  	s29 =	simm.s32 $0x9;
	_ =	strace $0x80000048  }
0xb3: {  	_ =	swait.ge [sflag:s29], $0x1  }
0xb4: {  	[sflag:s29] =	ssyncadd.s32 $0xFFFFFFFF  }
0xb5: {  	_ =	strace $0x90000048  }
0xb6: {  	_ =	sfence  }
0xb7: {  	s30 =	sld [smem:$0x0];
	_ =	sdelay $0x2  }
0xb8: {  	s31 =	sshll.u32 s1, $0xD;
	s1 =	sshrl.u32 s1, $0x2  }
0xb9: {  	s3 =	sand.u32 $0x4000, s31;
	s1 =	sadd.s32 s1, s30  }
0xba: {  	s0 =	sor.u32 s3, s0;
	s1 =	sshll.u32 s1, $0x11  }
0xbb: {  	s0 =	sor.u32 s1, s0  }
0xbc: {  	s0 =	sadd.s32 $0x8F2B, s0  }
0xbd: {  	[sflag:s0] =	ssyncadd.remote.s32 $0x1  }
0xbe: {  	_ =	sfence.sel $0xFFFF  }
0xbf: {  	[dreg:$0x0] =	wrdreg $0xFFFFFFFF;
	(pc) =	sbr.abs _section_cstart, $3  }
0xc0: {  	[dreg:$0x1] =	wrdreg $0xFFFFFFFF  }
0xc1: {  	_ =	task.clear_ibuf [dreg:s6], $0x2FFFF;
	_ =	strace $0x9FFFFFFF  }
0xc2: {  	(tm) =	ssettm $0x7FFFFFFF  }
0xc3: {  	_ =	shalt  }
tec
execute0_lowered:
.L_overlay_start_1:
0x0: {  	(tag) =	ssettag $0x1  }
0x1: {  	s1 =	srdreg.scid;
	s5 =	rddreg [dreg:$0x0]  }
0x2: {  	s0 =	stileid.u32;
	s2 =	rddreg [dreg:$0x1];
	s3 =	simm.s32 $0x0  }
0x3: {  	s13 =	simm.s32 $0x1;
	s14 =	simm.s32 $0x2800;
	s15 =	simm.s32 $0x80  }
0x4: {  	s4 =	sand.u32 $0x1, s1;
	s26 =	sshll.u32 s0, $0x1;
	s8 =	smul.u32 $0x14000, s0  }
0x5: {  	[smem:$0x7FF] =	sst s3;
	s9 =	smul.u32 $0x50000, s0;
	s16 =	sshll.u32 s0, $0x6  }
0x6: {  	s1 =	sor.u32 s4, s26;
	s7 =	smul.u32 $0x140000, s4;
	s29 =	ssub.s32 $0x2, s4  }
0x7: {  	s16 =	sor.u32 $0x1C01, s16;
	s6 =	smul.u32 $0x500, s1;
	s1 =	rddreg [dreg:$0x2]  }
0x8: {  	_ =	strace $0x80000047;
	s30 =	sshrl.u32 s9, $0x2;
	s31 =	sshrl.u32 s29, $0x1  }
0x9: {  	s28 =	sadd.s32 s8, s7;
	s4 =	sadd.s32 s30, s2;
	s12 =	ssub.s32 s29, s31  }
0xa: {  	s10 =	sadd.s32 s6, s5;
	s6 =	sshrl.u32 s28, $0x3;
	s7 =	sadd.s32 $0xC000, s4  }
0xb: {  	s8 =	sadd.s32 $0x10000, s4;
	s17 =	sshrl.u32 s4, $0x3;
	s11 =	sadd.s32 s6, s5  }
0xc: {  	s5 =	sadd.s32 $0x4000, s4;
	s6 =	sadd.s32 $0x8000, s4;
	s9 =	sadd.s32 $0x1600, s10  }
0xd: {  	v0 =	vimm.f32 $0.0e+00;
	v1 =	vimm.f32 $1.000000000e+00;
	s10 =	sadd.s32 $0xB600, s11;
	s11 =	smax.u32 s12, $0x1;
	s12 =	simm.s32 $0x5000  }
.LBB2_1:
0xe: {  	s18 =	simm.s32 $0x200;
	s19 =	simm.s32 $0x0  }
.LBB2_2:
0xf: {  	p0 =	sne.s32 s18, $0xFE00;
	[tilespmem:s19+$0x5000] =	vst v0;
	s19 =	smov.u32 s18;
	s18 =	sadd.s32 $0x200, s18  }
.Ltmp0:
0x10: {  	(pc) =	sbr.rel @p0 .LBB2_2-.Ltmp0, $2  }
0x11: {  	_ =	sdelay $0x2  }
0x12: {  	s19 =	sshra.s32 s19, $0x2  }
0x13: {  	[tilespmem:s19+$0x5000] =	vst v0  }
0x14: {  	[spmem:s4] =	stream.linear.scatter [tilespmem:s12], [sflag:$0x1], $0x4000, $0x38;
	[tilespmem:$0x9000] =	vst v63  }
0x15: {  	_ =	swait.ge [sflag:s13], $0x4000  }
0x16: {  	[sflag:s13] =	ssyncset.done $0x0  }
0x17: {  	[sflag:s13] =	ssyncadd.s32 $0xFFFFC000  }
0x18: {  	[spmem:s5] =	stream.linear.scatter [tilespmem:s12], [sflag:$0x1], $0x4000, $0x38;
	[tilespmem:$0x9000] =	vst v63  }
0x19: {  	_ =	swait.ge [sflag:s13], $0x4000  }
0x1a: {  	[sflag:s13] =	ssyncset.done $0x0  }
0x1b: {  	[sflag:s13] =	ssyncadd.s32 $0xFFFFC000  }
0x1c: {  	[spmem:s6] =	stream.linear.scatter [tilespmem:s12], [sflag:$0x1], $0x4000, $0x38;
	[tilespmem:$0x9000] =	vst v63  }
0x1d: {  	_ =	swait.ge [sflag:s13], $0x4000  }
0x1e: {  	[sflag:s13] =	ssyncset.done $0x0  }
0x1f: {  	[sflag:s13] =	ssyncadd.s32 $0xFFFFC000  }
0x20: {  	[spmem:s7] =	stream.linear.scatter [tilespmem:s12], [sflag:$0x1], $0x4000, $0x38;
	[tilespmem:$0x9000] =	vst v63  }
0x21: {  	_ =	swait.ge [sflag:s13], $0x4000  }
0x22: {  	[sflag:s13] =	ssyncset.done $0x0  }
0x23: {  	[sflag:s13] =	ssyncadd.s32 $0xFFFFC000  }
0x24: {  	[spmem:s8] =	stream.linear.scatter [tilespmem:s12], [sflag:$0x1], $0x4000, $0x38;
	[tilespmem:$0x9000] =	vst v63  }
0x25: {  	_ =	swait.ge [sflag:s13], $0x4000  }
0x26: {  	[sflag:s13] =	ssyncset.done $0x0  }
0x27: {  	s18 =	simm.s32 $0x200;
	s19 =	simm.s32 $0x0;
	[sflag:s13] =	ssyncadd.s32 $0xFFFFC000  }
.LBB2_4:
0x28: {  	p0 =	sne.s32 s18, $0xFE00;
	[tilespmem:s19+$0x5000] =	vst v1;
	s19 =	smov.u32 s18;
	s18 =	sadd.s32 $0x200, s18  }
.Ltmp1:
0x29: {  	(pc) =	sbr.rel @p0 .LBB2_4-.Ltmp1, $2  }
0x2a: {  	_ =	sdelay $0x2  }
0x2b: {  	s19 =	sshra.s32 s19, $0x2  }
0x2c: {  	[tilespmem:s19+$0x5000] =	vst v1;
	s18 =	simm.s32 $0x0  }
0x2d: {  	[tilespmem:s14], [sflag:$0x1] =	stream.linear.gather [hbm4b:s9+s18], $0x2780, $0x38;
	[tilespmem:$0x9000] =	vst v63  }
0x2e: {  	_ =	swait.ge [sflag:s13], $0x2780  }
0x2f: {  	[sflag:s13] =	ssyncset.done $0x0  }
0x30: {  	[sflag:s13] =	ssyncadd.s32 $0xFFFFD880  }
0x31: {  	s31 =	simm.s32 $0x2800;
	[bflag:$0x0] =	sbarrier.arrive $0xFFFF  }
0x32: {  	[spmem:s2] =	stream.indirect.scatter.add.f32 [tilespmem:s12], [sflag:$0x1], $0x10, s31, s15, $0xb8;
	[tilespmem:$0x9000] =	vst v63  }
0x33: {  	s18 =	simm.s32 $0x200;
	_ =	swait.ge [sflag:s13], $0x800  }
.LBB2_6:
0x34: {  	s19 =	sshra.s32 s18, $0x2;
	[sflag:s13] =	ssyncset.done $0x0;
	p0 =	sne.s32 s18, $0x9C00  }
.Ltmp2:
0x35: {  	s19 =	sadd.s32 $0x2800, s19;
	[sflag:s13] =	ssyncadd.s32 $0xFFFFF800;
	(pc) =	sbr.rel @p0 .LBB2_6-.Ltmp2, $3  }
0x36: {  	[spmem:s2] =	stream.indirect.scatter.add.f32 [tilespmem:s12], [sflag:$0x1], $0x10, s19, s15, $0xb8;
	[tilespmem:$0x9000] =	vst v63  }
0x37: {  	s18 =	sadd.s32 $0x200, s18;
	_ =	sdelay $0x1  }
0x38: {  	_ =	swait.ge [sflag:s13], $0x800  }
0x39: {  	[sflag:s13] =	ssyncset.done $0x0;
	s3 =	sadd.s32 $0x1, s3  }
0x3a: {  	[sflag:s13] =	ssyncadd.s32 $0xFFFFF800;
	p0 =	sne.s32 s3, s11  }
.Ltmp3:
0x3b: {  	[bflag:$0x0] =	sbarrier.arrive $0xFFFF;
	(pc) =	sbr.rel @p0 .LBB2_1-.Ltmp3, $4  }
0x3c: {  	[hbm:s10], [sflag:s16] =	dma.local [spmem:s17], $0x2800  }
0x3d: {  	_ =	swait.ge [sflag:s13], $0x2800  }
0x3e: {  	[sflag:s13] =	ssyncset.done $0x0  }
0x3f: {  	[sflag:s13] =	ssyncadd.s32 $0xFFFFD800  }
0x40: {  	_ =	sfence.sel $0x180000  }
0x41: {  	[bflag:$0x0] =	sbarrier.arrive $0xFFFF  }
0x42: {  	p0 =	sne.s32 s0, $0x0;
	_ =	strace $0x90000047  }
0x43: {  	s0 =	sadd.s32 @!p0 $0x100000, s1;
	[bflag:$0x2] =	sbarrier.arrive $0xFFFF  }
0x44: {  	[sflag:s0] =	ssyncadd.tile.s32 @!p0 $0x1;
	_ =	shalt  }
.Lfunc_end2:
_tile_overlayer_lowered:
.L_overlay_start_2:
0x45: {  	(tag) =	ssettag $0x2  }
0x46: {  	s0 =	rddreg [dreg:$0x0];
	s2 =	stileid.u32  }
0x47: {  	s1 =	rddreg [dreg:$0x1];
	p0 =	sne.s32 s2, $0x0  }
0x48: {  	s3 =	rddreg [dreg:$0x2];
	[bflag:$0x3] =	sbarrier.arrive $0xFFFF;
	s2 =	simm.s32 @!p0 $0x1C01  }
0x49: {  	[timem:s3], [sflag:s2] =	dma.local @!p0 [hbm:s0], s1  }
0x4a: {  	s0 =	simm.s32 @!p0 $0x1  }
0x4b: {  	_ =	swait.ge @!p0 [sflag:s0], s1  }
0x4c: {  	s1 =	ssub.s32 @!p0 $0x0, s1;
	[sflag:s0] =	ssyncset.done @!p0 $0x0  }
0x4d: {  	[sflag:s0] =	ssyncadd.s32 @!p0 s1  }
0x4e: {  	[bflag:$0x3] =	sbarrier.arrive $0xFFFF  }
0x4f: {  	_ =	shalt  }

</sc_bundles>
